<compile_context>
chip_gen: v7x
topology: tpu7x:2x2x1
jax: 0.10.2.dev20260603
libtpu: 0.0.44.dev20260713+nightly
codegen_flags: <defaults>
</compile_context>

<pallas_src>
import functools

import jax
import jax.numpy as jnp
from jax import lax
from jax.experimental import pallas as pl
from jax.experimental.pallas import tpu as pltpu
from jax.experimental.pallas import tpu_sc as plsc

B0, B1, D = 16384, 200, 22
N = B0 * B1
TOTAL = N * D
NC, NS = 2, 16
NW = NC * NS
LANES = 16
CH = 51_200
RUN_CH = N // CH
PAIR_CH = TOTAL // (NS * CH)
C0_CH = PAIR_CH // 2

assert RUN_CH * CH == N and NS * PAIR_CH * CH == TOTAL
assert C0_CH < RUN_CH and PAIR_CH - C0_CH < RUN_CH


@functools.partial(
    pl.kernel,
    out_type=jax.ShapeDtypeStruct((TOTAL,), jnp.float32),
    mesh=plsc.VectorSubcoreMesh(core_axis_name="c", subcore_axis_name="s"),
    scratch_types=[
        pltpu.VMEM((32,), jnp.float32),
        pltpu.VMEM((CH,), jnp.float32),
        pltpu.VMEM((CH,), jnp.float32),
        pltpu.SemaphoreType.DMA,
    ],
)
def _emb_broadcast(table_hbm, out_hbm, tbl_v, buf_a, buf_b, sem):
    cid = lax.axis_index("c")
    base_g = lax.axis_index("s") * PAIR_CH + cid * C0_CH
    n_g = jnp.where(cid == 0, C0_CH, PAIR_CH - C0_CH)
    k0 = base_g // RUN_CH
    k1 = (base_g + n_g - 1) // RUN_CH
    n_a = jnp.minimum((k0 + 1) * RUN_CH, base_g + n_g) - base_g

    pltpu.sync_copy(table_hbm, tbl_v.at[pl.ds(0, D)])
    a = tbl_v[pl.ds(0, LANES)]
    b = tbl_v[pl.ds(LANES, LANES)]

    def take16(vec, idx):
        dnums = lax.GatherDimensionNumbers(
            offset_dims=(), collapsed_slice_dims=(0,), start_index_map=(0,)
        )
        return lax.gather(
            vec,
            idx[:, None],
            dnums,
            slice_sizes=(1,),
            mode=lax.GatherScatterMode.PROMISE_IN_BOUNDS,
        )

    def splat(k):
        bk = jnp.zeros((LANES,), jnp.int32) + k
        va = take16(a, jnp.minimum(bk, LANES - 1))
        vb = take16(b, jnp.maximum(bk - LANES, 0))
        return jnp.where(bk < LANES, va, vb)

    def fill(buf, vec):
        def body(c, carry):
            buf[pl.ds(c * LANES, LANES)] = vec
            return carry

        lax.fori_loop(0, CH // LANES, body, 0, unroll=8)

    def fire(buf, lo, hi):
        def body(c, carry):
            pltpu.async_copy(buf, out_hbm.at[pl.ds(c * CH, CH)], sem)
            return carry

        lax.fori_loop(lo, hi, body, 0)

    PIECES = (3_200, 6_400, 12_800, 28_800)
    assert sum(PIECES) == CH
    va0 = splat(k0)
    off = 0
    for psz in PIECES:
        def piece_body(c, carry):
            buf_a[pl.ds(c * LANES, LANES)] = va0
            return carry

        lax.fori_loop(off // LANES, (off + psz) // LANES,
                      piece_body, 0, unroll=8)
        pltpu.async_copy(
            buf_a.at[pl.ds(off, psz)],
            out_hbm.at[pl.ds(base_g * CH + off, psz)],
            sem,
        )
        off += psz
    fire(buf_a, base_g + 1, base_g + n_a)
    fill(buf_b, splat(k1))
    fire(buf_b, base_g + n_a, base_g + n_g)

    for psz in PIECES:
        pltpu.make_async_copy(
            buf_a.at[pl.ds(0, psz)], out_hbm.at[pl.ds(0, psz)], sem
        ).wait()

    def drain(c, carry):
        pltpu.make_async_copy(buf_a, out_hbm.at[pl.ds(0, CH)], sem).wait()
        return carry

    lax.fori_loop(0, n_g - 1, drain, 0)


def kernel(input, table):
    del input
    flat = _emb_broadcast(table.reshape(-1))
    out5 = flat.reshape(D, B1 // 8, B0 // 128, 8, 128)
    return out5.transpose(2, 4, 1, 3, 0).reshape(B0, B1, D)

# --- scband reference (transcript-rebuilt; emitter-appended) ---
"""Pipeline reference for scband-emb-32693291057888 (READ-ONLY COPY).

The authoritative reference and input builder live on the scoring server;
editing this copy changes nothing except your own understanding.
"""

import jax, jax.numpy as jnp
import numpy as np


def setup_inputs(seed: int = 0) -> dict:
    key = jax.random.key(seed)
    k1, k2 = jax.random.split(key)
    # forward arg: indices into the embedding table, values in [0, 1)
    indices = jax.random.randint(k1, (16384, 200), 0, 1).astype(jnp.int32)
    # learned parameter: nn.Embedding(1, 22) weight, init N(0,1) then *0.01
    table = jax.random.normal(k2, (1, 22), dtype=jnp.float32) * 0.01
    return {"input": indices, "table": table}


def reference(input, table):
    # EMB.forward: data = self.data(input) -> embedding gather
    return jnp.take(table, input, axis=0)

if __name__ == "__main__":
    import jax
    _d = setup_inputs()
    print(jax.jit(kernel)(*tuple(_d.values())))

</pallas_src>

<mosaic_0001>
#map = affine_map<(d0, d1) -> (0)>
module attributes {stable_mosaic.version = 14 : i64} {
  func.func @_emb_broadcast(%arg0: i32, %arg1: i32, %arg2: memref<22xf32, #tpu.memory_space<hbm>>, %arg3: memref<72089600xf32, #tpu.memory_space<hbm>>, %arg4: memref<32xf32, #tpu.memory_space<vmem>>, %arg5: memref<51200xf32, #tpu.memory_space<vmem>>, %arg6: memref<51200xf32, #tpu.memory_space<vmem>>, %arg7: memref<!tpu.dma_semaphore, #tpu.memory_space<semaphore_mem>>) attributes {dimension_semantics = [#tpu.dimension_semantics<core_parallel>, #tpu.dimension_semantics<subcore_parallel>], iteration_bounds = array<i64: 2, 16>, scalar_prefetch = 0 : i64, scratch_operands = 4 : i64, tpu.core_type = #tpu.core_type<sc_vector_subcore>, window_params = [{transform_indices = #map}, {transform_indices = #map}]} {
    %mul3A = arith.constant 88 : i32
    %mul3A_0 = arith.muli %arg1, %mul3A : i32
    %mul3A_1 = arith.constant 44 : i32
    %mul3A_2 = arith.muli %arg0, %mul3A_1 : i32
    %add3A = arith.addi %mul3A_0, %mul3A_2 : i32
    %eq3A = arith.constant 0 : i32
    %eq3A_3 = arith.cmpi eq, %arg0, %eq3A : i32
    %jit3A = arith.constant 44 : i32
    %jit3A_4 = arith.constant 44 : i32
    %select_n3A = arith.select %eq3A_3, %jit3A, %jit3A_4 : i32
    %jit3A_5 = arith.constant 64 : i32
    %div3A = arith.divsi %add3A, %jit3A_5 : i32
    %sign3A = arith.constant 0 : i32
    %sign3A_6 = arith.cmpi sgt, %add3A, %sign3A : i32
    %sign3A_7 = arith.extui %sign3A_6 : i1 to i32
    %sign3A_8 = arith.constant 0 : i32
    %sign3A_9 = arith.cmpi slt, %add3A, %sign3A_8 : i32
    %sign3A_10 = arith.extui %sign3A_9 : i1 to i32
    %sign3A_11 = arith.subi %sign3A_7, %sign3A_10 : i32
    %sign3A_12 = arith.constant 0 : i32
    %sign3A_13 = arith.cmpi sgt, %jit3A_5, %sign3A_12 : i32
    %sign3A_14 = arith.extui %sign3A_13 : i1 to i32
    %sign3A_15 = arith.constant 0 : i32
    %sign3A_16 = arith.cmpi slt, %jit3A_5, %sign3A_15 : i32
    %sign3A_17 = arith.extui %sign3A_16 : i1 to i32
    %sign3A_18 = arith.subi %sign3A_14, %sign3A_17 : i32
    %ne3A = arith.cmpi ne, %sign3A_11, %sign3A_18 : i32
    %rem3A = arith.remsi %add3A, %jit3A_5 : i32
    %ne3A_19 = arith.constant 0 : i32
    %ne3A_20 = arith.cmpi ne, %rem3A, %ne3A_19 : i32
    %and3A = arith.andi %ne3A, %ne3A_20 : i1
    %sub3A = arith.constant 1 : i32
    %sub3A_21 = arith.subi %div3A, %sub3A : i32
    %select_n3A_22 = arith.select %and3A, %sub3A_21, %div3A : i32
    %add3A_23 = arith.addi %add3A, %select_n3A : i32
    %sub3A_24 = arith.constant 1 : i32
    %sub3A_25 = arith.subi %add3A_23, %sub3A_24 : i32
    %jit3A_26 = arith.constant 64 : i32
    %div3A_27 = arith.divsi %sub3A_25, %jit3A_26 : i32
    %sign3A_28 = arith.constant 0 : i32
    %sign3A_29 = arith.cmpi sgt, %sub3A_25, %sign3A_28 : i32
    %sign3A_30 = arith.extui %sign3A_29 : i1 to i32
    %sign3A_31 = arith.constant 0 : i32
    %sign3A_32 = arith.cmpi slt, %sub3A_25, %sign3A_31 : i32
    %sign3A_33 = arith.extui %sign3A_32 : i1 to i32
    %sign3A_34 = arith.subi %sign3A_30, %sign3A_33 : i32
    %sign3A_35 = arith.constant 0 : i32
    %sign3A_36 = arith.cmpi sgt, %jit3A_26, %sign3A_35 : i32
    %sign3A_37 = arith.extui %sign3A_36 : i1 to i32
    %sign3A_38 = arith.constant 0 : i32
    %sign3A_39 = arith.cmpi slt, %jit3A_26, %sign3A_38 : i32
    %sign3A_40 = arith.extui %sign3A_39 : i1 to i32
    %sign3A_41 = arith.subi %sign3A_37, %sign3A_40 : i32
    %ne3A_42 = arith.cmpi ne, %sign3A_34, %sign3A_41 : i32
    %rem3A_43 = arith.remsi %sub3A_25, %jit3A_26 : i32
    %ne3A_44 = arith.constant 0 : i32
    %ne3A_45 = arith.cmpi ne, %rem3A_43, %ne3A_44 : i32
    %and3A_46 = arith.andi %ne3A_42, %ne3A_45 : i1
    %sub3A_47 = arith.constant 1 : i32
    %sub3A_48 = arith.subi %div3A_27, %sub3A_47 : i32
    %select_n3A_49 = arith.select %and3A_46, %sub3A_48, %div3A_27 : i32
    %add3A_50 = arith.constant 1 : i32
    %add3A_51 = arith.addi %select_n3A_22, %add3A_50 : i32
    %mul3A_52 = arith.constant 64 : i32
    %mul3A_53 = arith.muli %add3A_51, %mul3A_52 : i32
    %add3A_54 = arith.addi %add3A, %select_n3A : i32
    %min3A = arith.minsi %mul3A_53, %add3A_54 : i32
    %sub3A_55 = arith.subi %min3A, %add3A : i32
    "tpu.region"() ({
      %run_scoped3A = tpu.sem_alloc : memref<!tpu.dma_semaphore, #tpu.memory_space<semaphore_mem>>
      %dma_start3A_236 = arith.constant 0 : i32
      %dma_start3A_237 = tpu.memref_slice %arg4[%dma_start3A_236] : memref<32xf32, #tpu.memory_space<vmem>> -> memref<22xf32, #tpu.memory_space<vmem>>
      %dma_start3A_238 = arith.constant 0 : i32
      %dma_start3A_239 = tpu.memref_slice %arg4[%dma_start3A_238] : memref<32xf32, #tpu.memory_space<vmem>> -> memref<22xf32, #tpu.memory_space<vmem>>
      tpu.enqueue_dma source(%arg2 : memref<22xf32, #tpu.memory_space<hbm>>) target(%dma_start3A_239 : memref<22xf32, #tpu.memory_space<vmem>>) target_semaphore(%run_scoped3A : memref<!tpu.dma_semaphore, #tpu.memory_space<semaphore_mem>>)
      %dma_wait3A_240 = arith.constant 0 : i32
      %dma_wait3A_241 = tpu.memref_slice %arg4[%dma_wait3A_240] : memref<32xf32, #tpu.memory_space<vmem>> -> memref<22xf32, #tpu.memory_space<vmem>>
      %dma_wait3A_242 = arith.constant 0 : i32
      %dma_wait3A_243 = tpu.memref_slice %arg4[%dma_wait3A_242] : memref<32xf32, #tpu.memory_space<vmem>> -> memref<22xf32, #tpu.memory_space<vmem>>
      tpu.wait_dma2 semaphore(%run_scoped3A : memref<!tpu.dma_semaphore, #tpu.memory_space<semaphore_mem>>) src(%arg2 : memref<22xf32, #tpu.memory_space<hbm>>) dst(%dma_wait3A_243 : memref<22xf32, #tpu.memory_space<vmem>>)
      tpu.yield
    }) : () -> ()
    %get3A = arith.constant 0 : index
    %get3A_56 = tpu.vector_load %arg4[%get3A] {strides = array<i32>} : memref<32xf32, #tpu.memory_space<vmem>>, vector<16xf32>,
    %get3A_57 = vector.shape_cast %get3A_56 : vector<16xf32> to vector<16xf32>
    %get3A_58 = arith.constant 16 : index
    %get3A_59 = tpu.vector_load %arg4[%get3A_58] {strides = array<i32>} : memref<32xf32, #tpu.memory_space<vmem>>, vector<16xf32>,
    %get3A_60 = vector.shape_cast %get3A_59 : vector<16xf32> to vector<16xf32>
    %broadcast_in_dim3A = arith.constant 0 : i32
    %broadcast_in_dim3A_61 = vector.broadcast %broadcast_in_dim3A : i32 to vector<16xi32>
    %add3A_62 = vector.broadcast %select_n3A_22 : i32 to vector<16xi32>
    %add3A_63 = arith.addi %broadcast_in_dim3A_61, %add3A_62 : vector<16xi32>
    %min3A_64 = arith.constant 15 : i32
    %min3A_65 = vector.broadcast %min3A_64 : i32 to vector<16xi32>
    %min3A_66 = arith.minsi %add3A_63, %min3A_65 : vector<16xi32>
    %broadcast_in_dim3A_67 = vector.shape_cast %min3A_66 : vector<16xi32> to vector<16x1xi32>
    %gather3A = vector.shape_cast %broadcast_in_dim3A_67 : vector<16x1xi32> to vector<16xi32>
    %gather3A_68 = tpu.dynamic_gather %get3A_57[%gather3A] in [0] : vector<16xf32>, vector<16xi32> -> vector<16xf32>
    %sub3A_69 = arith.constant 16 : i32
    %sub3A_70 = vector.broadcast %sub3A_69 : i32 to vector<16xi32>
    %sub3A_71 = arith.subi %add3A_63, %sub3A_70 : vector<16xi32>
    %max3A = arith.constant 0 : i32
    %max3A_72 = vector.broadcast %max3A : i32 to vector<16xi32>
    %max3A_73 = arith.maxsi %sub3A_71, %max3A_72 : vector<16xi32>
    %broadcast_in_dim3A_74 = vector.shape_cast %max3A_73 : vector<16xi32> to vector<16x1xi32>
    %gather3A_75 = vector.shape_cast %broadcast_in_dim3A_74 : vector<16x1xi32> to vector<16xi32>
    %gather3A_76 = tpu.dynamic_gather %get3A_60[%gather3A_75] in [0] : vector<16xf32>, vector<16xi32> -> vector<16xf32>
    %lt3A = arith.constant 16 : i32
    %lt3A_77 = vector.broadcast %lt3A : i32 to vector<16xi32>
    %lt3A_78 = arith.cmpi slt, %add3A_63, %lt3A_77 : vector<16xi32>
    %select_n3A_79 = arith.select %lt3A_78, %gather3A_68, %gather3A_76 : vector<16xi1>, vector<16xf32>
    %scan3A = arith.constant 0 : i32
    %scan3A_80 = arith.constant 0 : i32
    %scan3A_81 = arith.constant 200 : i32
    %scan3A_82 = arith.addi %scan3A_80, %scan3A_81 : i32
    %scan3A_83 = arith.constant 8 : i32
    scf.for %scan3A_236 = %scan3A_80 to %scan3A_82 step %scan3A_83  : i32 {
      %mul3A_237 = arith.constant 16 : i32
      %mul3A_238 = arith.muli %scan3A_236, %mul3A_237 : i32
      %swap3A = arith.index_cast %mul3A_238 : i32 to index
      %swap3A_239 = tpu.vector_load %arg5[%swap3A] {strides = array<i32>} : memref<51200xf32, #tpu.memory_space<vmem>>, vector<16xf32>,
      %swap3A_240 = vector.shape_cast %swap3A_239 : vector<16xf32> to vector<16xf32>
      %swap3A_241 = vector.shape_cast %select_n3A_79 : vector<16xf32> to vector<16xf32>
      tpu.vector_store %arg5[%swap3A], %swap3A_241 {strides = array<i32>} : memref<51200xf32, #tpu.memory_space<vmem>>, vector<16xf32>,
      %scan3A_242 = arith.constant 1 : i32
      %scan3A_243 = arith.addi %scan3A_236, %scan3A_242 : i32
      %mul3A_244 = arith.constant 16 : i32
      %mul3A_245 = arith.muli %scan3A_243, %mul3A_244 : i32
      %swap3A_246 = arith.index_cast %mul3A_245 : i32 to index
      %swap3A_247 = tpu.vector_load %arg5[%swap3A_246] {strides = array<i32>} : memref<51200xf32, #tpu.memory_space<vmem>>, vector<16xf32>,
      %swap3A_248 = vector.shape_cast %swap3A_247 : vector<16xf32> to vector<16xf32>
      %swap3A_249 = vector.shape_cast %select_n3A_79 : vector<16xf32> to vector<16xf32>
      tpu.vector_store %arg5[%swap3A_246], %swap3A_249 {strides = array<i32>} : memref<51200xf32, #tpu.memory_space<vmem>>, vector<16xf32>,
      %scan3A_250 = arith.constant 2 : i32
      %scan3A_251 = arith.addi %scan3A_236, %scan3A_250 : i32
      %mul3A_252 = arith.constant 16 : i32
      %mul3A_253 = arith.muli %scan3A_251, %mul3A_252 : i32
      %swap3A_254 = arith.index_cast %mul3A_253 : i32 to index
      %swap3A_255 = tpu.vector_load %arg5[%swap3A_254] {strides = array<i32>} : memref<51200xf32, #tpu.memory_space<vmem>>, vector<16xf32>,
      %swap3A_256 = vector.shape_cast %swap3A_255 : vector<16xf32> to vector<16xf32>
      %swap3A_257 = vector.shape_cast %select_n3A_79 : vector<16xf32> to vector<16xf32>
      tpu.vector_store %arg5[%swap3A_254], %swap3A_257 {strides = array<i32>} : memref<51200xf32, #tpu.memory_space<vmem>>, vector<16xf32>,
      %scan3A_258 = arith.constant 3 : i32
      %scan3A_259 = arith.addi %scan3A_236, %scan3A_258 : i32
      %mul3A_260 = arith.constant 16 : i32
      %mul3A_261 = arith.muli %scan3A_259, %mul3A_260 : i32
      %swap3A_262 = arith.index_cast %mul3A_261 : i32 to index
      %swap3A_263 = tpu.vector_load %arg5[%swap3A_262] {strides = array<i32>} : memref<51200xf32, #tpu.memory_space<vmem>>, vector<16xf32>,
      %swap3A_264 = vector.shape_cast %swap3A_263 : vector<16xf32> to vector<16xf32>
      %swap3A_265 = vector.shape_cast %select_n3A_79 : vector<16xf32> to vector<16xf32>
      tpu.vector_store %arg5[%swap3A_262], %swap3A_265 {strides = array<i32>} : memref<51200xf32, #tpu.memory_space<vmem>>, vector<16xf32>,
      %scan3A_266 = arith.constant 4 : i32
      %scan3A_267 = arith.addi %scan3A_236, %scan3A_266 : i32
      %mul3A_268 = arith.constant 16 : i32
      %mul3A_269 = arith.muli %scan3A_267, %mul3A_268 : i32
      %swap3A_270 = arith.index_cast %mul3A_269 : i32 to index
      %swap3A_271 = tpu.vector_load %arg5[%swap3A_270] {strides = array<i32>} : memref<51200xf32, #tpu.memory_space<vmem>>, vector<16xf32>,
      %swap3A_272 = vector.shape_cast %swap3A_271 : vector<16xf32> to vector<16xf32>
      %swap3A_273 = vector.shape_cast %select_n3A_79 : vector<16xf32> to vector<16xf32>
      tpu.vector_store %arg5[%swap3A_270], %swap3A_273 {strides = array<i32>} : memref<51200xf32, #tpu.memory_space<vmem>>, vector<16xf32>,
      %scan3A_274 = arith.constant 5 : i32
      %scan3A_275 = arith.addi %scan3A_236, %scan3A_274 : i32
      %mul3A_276 = arith.constant 16 : i32
      %mul3A_277 = arith.muli %scan3A_275, %mul3A_276 : i32
      %swap3A_278 = arith.index_cast %mul3A_277 : i32 to index
      %swap3A_279 = tpu.vector_load %arg5[%swap3A_278] {strides = array<i32>} : memref<51200xf32, #tpu.memory_space<vmem>>, vector<16xf32>,
      %swap3A_280 = vector.shape_cast %swap3A_279 : vector<16xf32> to vector<16xf32>
      %swap3A_281 = vector.shape_cast %select_n3A_79 : vector<16xf32> to vector<16xf32>
      tpu.vector_store %arg5[%swap3A_278], %swap3A_281 {strides = array<i32>} : memref<51200xf32, #tpu.memory_space<vmem>>, vector<16xf32>,
      %scan3A_282 = arith.constant 6 : i32
      %scan3A_283 = arith.addi %scan3A_236, %scan3A_282 : i32
      %mul3A_284 = arith.constant 16 : i32
      %mul3A_285 = arith.muli %scan3A_283, %mul3A_284 : i32
      %swap3A_286 = arith.index_cast %mul3A_285 : i32 to index
      %swap3A_287 = tpu.vector_load %arg5[%swap3A_286] {strides = array<i32>} : memref<51200xf32, #tpu.memory_space<vmem>>, vector<16xf32>,
      %swap3A_288 = vector.shape_cast %swap3A_287 : vector<16xf32> to vector<16xf32>
      %swap3A_289 = vector.shape_cast %select_n3A_79 : vector<16xf32> to vector<16xf32>
      tpu.vector_store %arg5[%swap3A_286], %swap3A_289 {strides = array<i32>} : memref<51200xf32, #tpu.memory_space<vmem>>, vector<16xf32>,
      %scan3A_290 = arith.constant 7 : i32
      %scan3A_291 = arith.addi %scan3A_236, %scan3A_290 : i32
      %mul3A_292 = arith.constant 16 : i32
      %mul3A_293 = arith.muli %scan3A_291, %mul3A_292 : i32
      %swap3A_294 = arith.index_cast %mul3A_293 : i32 to index
      %swap3A_295 = tpu.vector_load %arg5[%swap3A_294] {strides = array<i32>} : memref<51200xf32, #tpu.memory_space<vmem>>, vector<16xf32>,
      %swap3A_296 = vector.shape_cast %swap3A_295 : vector<16xf32> to vector<16xf32>
      %swap3A_297 = vector.shape_cast %select_n3A_79 : vector<16xf32> to vector<16xf32>
      tpu.vector_store %arg5[%swap3A_294], %swap3A_297 {strides = array<i32>} : memref<51200xf32, #tpu.memory_space<vmem>>, vector<16xf32>,
    }
    %scan3A_84 = arith.constant 200 : i32
    %mul3A_85 = arith.constant 51200 : i32
    %mul3A_86 = arith.muli %add3A, %mul3A_85 : i32
    %add3A_87 = arith.constant 0 : i32
    %add3A_88 = arith.addi %mul3A_86, %add3A_87 : i32
    %dma_start3A = arith.constant 0 : i32
    %dma_start3A_89 = tpu.memref_slice %arg5[%dma_start3A] : memref<51200xf32, #tpu.memory_space<vmem>> -> memref<3200xf32, #tpu.memory_space<vmem>>
    %dma_start3A_90 = tpu.memref_slice %arg3[%add3A_88] : memref<72089600xf32, #tpu.memory_space<hbm>> -> memref<3200xf32, #tpu.memory_space<hbm>>
    %dma_start3A_91 = tpu.memref_slice %arg3[%add3A_88] : memref<72089600xf32, #tpu.memory_space<hbm>> -> memref<3200xf32, #tpu.memory_space<hbm>>
    %dma_start3A_92 = arith.constant 0 : i32
    %dma_start3A_93 = tpu.memref_slice %arg5[%dma_start3A_92] : memref<51200xf32, #tpu.memory_space<vmem>> -> memref<3200xf32, #tpu.memory_space<vmem>>
    tpu.enqueue_dma source(%dma_start3A_93 : memref<3200xf32, #tpu.memory_space<vmem>>) target(%dma_start3A_91 : memref<3200xf32, #tpu.memory_space<hbm>>) target_semaphore(%arg7 : memref<!tpu.dma_semaphore, #tpu.memory_space<semaphore_mem>>)
    %scan3A_94 = arith.constant 0 : i32
    %scan3A_95 = arith.constant 200 : i32
    %scan3A_96 = arith.constant 400 : i32
    %scan3A_97 = arith.addi %scan3A_95, %scan3A_96 : i32
    %scan3A_98 = arith.constant 8 : i32
    scf.for %scan3A_236 = %scan3A_95 to %scan3A_97 step %scan3A_98  : i32 {
      %mul3A_237 = arith.constant 16 : i32
      %mul3A_238 = arith.muli %scan3A_236, %mul3A_237 : i32
      %swap3A = arith.index_cast %mul3A_238 : i32 to index
      %swap3A_239 = tpu.vector_load %arg5[%swap3A] {strides = array<i32>} : memref<51200xf32, #tpu.memory_space<vmem>>, vector<16xf32>,
      %swap3A_240 = vector.shape_cast %swap3A_239 : vector<16xf32> to vector<16xf32>
      %swap3A_241 = vector.shape_cast %select_n3A_79 : vector<16xf32> to vector<16xf32>
      tpu.vector_store %arg5[%swap3A], %swap3A_241 {strides = array<i32>} : memref<51200xf32, #tpu.memory_space<vmem>>, vector<16xf32>,
      %scan3A_242 = arith.constant 1 : i32
      %scan3A_243 = arith.addi %scan3A_236, %scan3A_242 : i32
      %mul3A_244 = arith.constant 16 : i32
      %mul3A_245 = arith.muli %scan3A_243, %mul3A_244 : i32
      %swap3A_246 = arith.index_cast %mul3A_245 : i32 to index
      %swap3A_247 = tpu.vector_load %arg5[%swap3A_246] {strides = array<i32>} : memref<51200xf32, #tpu.memory_space<vmem>>, vector<16xf32>,
      %swap3A_248 = vector.shape_cast %swap3A_247 : vector<16xf32> to vector<16xf32>
      %swap3A_249 = vector.shape_cast %select_n3A_79 : vector<16xf32> to vector<16xf32>
      tpu.vector_store %arg5[%swap3A_246], %swap3A_249 {strides = array<i32>} : memref<51200xf32, #tpu.memory_space<vmem>>, vector<16xf32>,
      %scan3A_250 = arith.constant 2 : i32
      %scan3A_251 = arith.addi %scan3A_236, %scan3A_250 : i32
      %mul3A_252 = arith.constant 16 : i32
      %mul3A_253 = arith.muli %scan3A_251, %mul3A_252 : i32
      %swap3A_254 = arith.index_cast %mul3A_253 : i32 to index
      %swap3A_255 = tpu.vector_load %arg5[%swap3A_254] {strides = array<i32>} : memref<51200xf32, #tpu.memory_space<vmem>>, vector<16xf32>,
      %swap3A_256 = vector.shape_cast %swap3A_255 : vector<16xf32> to vector<16xf32>
      %swap3A_257 = vector.shape_cast %select_n3A_79 : vector<16xf32> to vector<16xf32>
      tpu.vector_store %arg5[%swap3A_254], %swap3A_257 {strides = array<i32>} : memref<51200xf32, #tpu.memory_space<vmem>>, vector<16xf32>,
      %scan3A_258 = arith.constant 3 : i32
      %scan3A_259 = arith.addi %scan3A_236, %scan3A_258 : i32
      %mul3A_260 = arith.constant 16 : i32
      %mul3A_261 = arith.muli %scan3A_259, %mul3A_260 : i32
      %swap3A_262 = arith.index_cast %mul3A_261 : i32 to index
      %swap3A_263 = tpu.vector_load %arg5[%swap3A_262] {strides = array<i32>} : memref<51200xf32, #tpu.memory_space<vmem>>, vector<16xf32>,
      %swap3A_264 = vector.shape_cast %swap3A_263 : vector<16xf32> to vector<16xf32>
      %swap3A_265 = vector.shape_cast %select_n3A_79 : vector<16xf32> to vector<16xf32>
      tpu.vector_store %arg5[%swap3A_262], %swap3A_265 {strides = array<i32>} : memref<51200xf32, #tpu.memory_space<vmem>>, vector<16xf32>,
      %scan3A_266 = arith.constant 4 : i32
      %scan3A_267 = arith.addi %scan3A_236, %scan3A_266 : i32
      %mul3A_268 = arith.constant 16 : i32
      %mul3A_269 = arith.muli %scan3A_267, %mul3A_268 : i32
      %swap3A_270 = arith.index_cast %mul3A_269 : i32 to index
      %swap3A_271 = tpu.vector_load %arg5[%swap3A_270] {strides = array<i32>} : memref<51200xf32, #tpu.memory_space<vmem>>, vector<16xf32>,
      %swap3A_272 = vector.shape_cast %swap3A_271 : vector<16xf32> to vector<16xf32>
      %swap3A_273 = vector.shape_cast %select_n3A_79 : vector<16xf32> to vector<16xf32>
      tpu.vector_store %arg5[%swap3A_270], %swap3A_273 {strides = array<i32>} : memref<51200xf32, #tpu.memory_space<vmem>>, vector<16xf32>,
      %scan3A_274 = arith.constant 5 : i32
      %scan3A_275 = arith.addi %scan3A_236, %scan3A_274 : i32
      %mul3A_276 = arith.constant 16 : i32
      %mul3A_277 = arith.muli %scan3A_275, %mul3A_276 : i32
      %swap3A_278 = arith.index_cast %mul3A_277 : i32 to index
      %swap3A_279 = tpu.vector_load %arg5[%swap3A_278] {strides = array<i32>} : memref<51200xf32, #tpu.memory_space<vmem>>, vector<16xf32>,
      %swap3A_280 = vector.shape_cast %swap3A_279 : vector<16xf32> to vector<16xf32>
      %swap3A_281 = vector.shape_cast %select_n3A_79 : vector<16xf32> to vector<16xf32>
      tpu.vector_store %arg5[%swap3A_278], %swap3A_281 {strides = array<i32>} : memref<51200xf32, #tpu.memory_space<vmem>>, vector<16xf32>,
      %scan3A_282 = arith.constant 6 : i32
      %scan3A_283 = arith.addi %scan3A_236, %scan3A_282 : i32
      %mul3A_284 = arith.constant 16 : i32
      %mul3A_285 = arith.muli %scan3A_283, %mul3A_284 : i32
      %swap3A_286 = arith.index_cast %mul3A_285 : i32 to index
      %swap3A_287 = tpu.vector_load %arg5[%swap3A_286] {strides = array<i32>} : memref<51200xf32, #tpu.memory_space<vmem>>, vector<16xf32>,
      %swap3A_288 = vector.shape_cast %swap3A_287 : vector<16xf32> to vector<16xf32>
      %swap3A_289 = vector.shape_cast %select_n3A_79 : vector<16xf32> to vector<16xf32>
      tpu.vector_store %arg5[%swap3A_286], %swap3A_289 {strides = array<i32>} : memref<51200xf32, #tpu.memory_space<vmem>>, vector<16xf32>,
      %scan3A_290 = arith.constant 7 : i32
      %scan3A_291 = arith.addi %scan3A_236, %scan3A_290 : i32
      %mul3A_292 = arith.constant 16 : i32
      %mul3A_293 = arith.muli %scan3A_291, %mul3A_292 : i32
      %swap3A_294 = arith.index_cast %mul3A_293 : i32 to index
      %swap3A_295 = tpu.vector_load %arg5[%swap3A_294] {strides = array<i32>} : memref<51200xf32, #tpu.memory_space<vmem>>, vector<16xf32>,
      %swap3A_296 = vector.shape_cast %swap3A_295 : vector<16xf32> to vector<16xf32>
      %swap3A_297 = vector.shape_cast %select_n3A_79 : vector<16xf32> to vector<16xf32>
      tpu.vector_store %arg5[%swap3A_294], %swap3A_297 {strides = array<i32>} : memref<51200xf32, #tpu.memory_space<vmem>>, vector<16xf32>,
    }
    %scan3A_99 = arith.constant 400 : i32
    %mul3A_100 = arith.constant 51200 : i32
    %mul3A_101 = arith.muli %add3A, %mul3A_100 : i32
    %add3A_102 = arith.constant 3200 : i32
    %add3A_103 = arith.addi %mul3A_101, %add3A_102 : i32
    %dma_start3A_104 = arith.constant 3200 : i32
    %dma_start3A_105 = tpu.memref_slice %arg5[%dma_start3A_104] : memref<51200xf32, #tpu.memory_space<vmem>> -> memref<6400xf32, #tpu.memory_space<vmem>>
    %dma_start3A_106 = tpu.memref_slice %arg3[%add3A_103] : memref<72089600xf32, #tpu.memory_space<hbm>> -> memref<6400xf32, #tpu.memory_space<hbm>>
    %dma_start3A_107 = tpu.memref_slice %arg3[%add3A_103] : memref<72089600xf32, #tpu.memory_space<hbm>> -> memref<6400xf32, #tpu.memory_space<hbm>>
    %dma_start3A_108 = arith.constant 3200 : i32
    %dma_start3A_109 = tpu.memref_slice %arg5[%dma_start3A_108] : memref<51200xf32, #tpu.memory_space<vmem>> -> memref<6400xf32, #tpu.memory_space<vmem>>
    tpu.enqueue_dma source(%dma_start3A_109 : memref<6400xf32, #tpu.memory_space<vmem>>) target(%dma_start3A_107 : memref<6400xf32, #tpu.memory_space<hbm>>) target_semaphore(%arg7 : memref<!tpu.dma_semaphore, #tpu.memory_space<semaphore_mem>>)
    %scan3A_110 = arith.constant 0 : i32
    %scan3A_111 = arith.constant 600 : i32
    %scan3A_112 = arith.constant 800 : i32
    %scan3A_113 = arith.addi %scan3A_111, %scan3A_112 : i32
    %scan3A_114 = arith.constant 8 : i32
    scf.for %scan3A_236 = %scan3A_111 to %scan3A_113 step %scan3A_114  : i32 {
      %mul3A_237 = arith.constant 16 : i32
      %mul3A_238 = arith.muli %scan3A_236, %mul3A_237 : i32
      %swap3A = arith.index_cast %mul3A_238 : i32 to index
      %swap3A_239 = tpu.vector_load %arg5[%swap3A] {strides = array<i32>} : memref<51200xf32, #tpu.memory_space<vmem>>, vector<16xf32>,
      %swap3A_240 = vector.shape_cast %swap3A_239 : vector<16xf32> to vector<16xf32>
      %swap3A_241 = vector.shape_cast %select_n3A_79 : vector<16xf32> to vector<16xf32>
      tpu.vector_store %arg5[%swap3A], %swap3A_241 {strides = array<i32>} : memref<51200xf32, #tpu.memory_space<vmem>>, vector<16xf32>,
      %scan3A_242 = arith.constant 1 : i32
      %scan3A_243 = arith.addi %scan3A_236, %scan3A_242 : i32
      %mul3A_244 = arith.constant 16 : i32
      %mul3A_245 = arith.muli %scan3A_243, %mul3A_244 : i32
      %swap3A_246 = arith.index_cast %mul3A_245 : i32 to index
      %swap3A_247 = tpu.vector_load %arg5[%swap3A_246] {strides = array<i32>} : memref<51200xf32, #tpu.memory_space<vmem>>, vector<16xf32>,
      %swap3A_248 = vector.shape_cast %swap3A_247 : vector<16xf32> to vector<16xf32>
      %swap3A_249 = vector.shape_cast %select_n3A_79 : vector<16xf32> to vector<16xf32>
      tpu.vector_store %arg5[%swap3A_246], %swap3A_249 {strides = array<i32>} : memref<51200xf32, #tpu.memory_space<vmem>>, vector<16xf32>,
      %scan3A_250 = arith.constant 2 : i32
      %scan3A_251 = arith.addi %scan3A_236, %scan3A_250 : i32
      %mul3A_252 = arith.constant 16 : i32
      %mul3A_253 = arith.muli %scan3A_251, %mul3A_252 : i32
      %swap3A_254 = arith.index_cast %mul3A_253 : i32 to index
      %swap3A_255 = tpu.vector_load %arg5[%swap3A_254] {strides = array<i32>} : memref<51200xf32, #tpu.memory_space<vmem>>, vector<16xf32>,
      %swap3A_256 = vector.shape_cast %swap3A_255 : vector<16xf32> to vector<16xf32>
      %swap3A_257 = vector.shape_cast %select_n3A_79 : vector<16xf32> to vector<16xf32>
      tpu.vector_store %arg5[%swap3A_254], %swap3A_257 {strides = array<i32>} : memref<51200xf32, #tpu.memory_space<vmem>>, vector<16xf32>,
      %scan3A_258 = arith.constant 3 : i32
      %scan3A_259 = arith.addi %scan3A_236, %scan3A_258 : i32
      %mul3A_260 = arith.constant 16 : i32
      %mul3A_261 = arith.muli %scan3A_259, %mul3A_260 : i32
      %swap3A_262 = arith.index_cast %mul3A_261 : i32 to index
      %swap3A_263 = tpu.vector_load %arg5[%swap3A_262] {strides = array<i32>} : memref<51200xf32, #tpu.memory_space<vmem>>, vector<16xf32>,
      %swap3A_264 = vector.shape_cast %swap3A_263 : vector<16xf32> to vector<16xf32>
      %swap3A_265 = vector.shape_cast %select_n3A_79 : vector<16xf32> to vector<16xf32>
      tpu.vector_store %arg5[%swap3A_262], %swap3A_265 {strides = array<i32>} : memref<51200xf32, #tpu.memory_space<vmem>>, vector<16xf32>,
      %scan3A_266 = arith.constant 4 : i32
      %scan3A_267 = arith.addi %scan3A_236, %scan3A_266 : i32
      %mul3A_268 = arith.constant 16 : i32
      %mul3A_269 = arith.muli %scan3A_267, %mul3A_268 : i32
      %swap3A_270 = arith.index_cast %mul3A_269 : i32 to index
      %swap3A_271 = tpu.vector_load %arg5[%swap3A_270] {strides = array<i32>} : memref<51200xf32, #tpu.memory_space<vmem>>, vector<16xf32>,
      %swap3A_272 = vector.shape_cast %swap3A_271 : vector<16xf32> to vector<16xf32>
      %swap3A_273 = vector.shape_cast %select_n3A_79 : vector<16xf32> to vector<16xf32>
      tpu.vector_store %arg5[%swap3A_270], %swap3A_273 {strides = array<i32>} : memref<51200xf32, #tpu.memory_space<vmem>>, vector<16xf32>,
      %scan3A_274 = arith.constant 5 : i32
      %scan3A_275 = arith.addi %scan3A_236, %scan3A_274 : i32
      %mul3A_276 = arith.constant 16 : i32
      %mul3A_277 = arith.muli %scan3A_275, %mul3A_276 : i32
      %swap3A_278 = arith.index_cast %mul3A_277 : i32 to index
      %swap3A_279 = tpu.vector_load %arg5[%swap3A_278] {strides = array<i32>} : memref<51200xf32, #tpu.memory_space<vmem>>, vector<16xf32>,
      %swap3A_280 = vector.shape_cast %swap3A_279 : vector<16xf32> to vector<16xf32>
      %swap3A_281 = vector.shape_cast %select_n3A_79 : vector<16xf32> to vector<16xf32>
      tpu.vector_store %arg5[%swap3A_278], %swap3A_281 {strides = array<i32>} : memref<51200xf32, #tpu.memory_space<vmem>>, vector<16xf32>,
      %scan3A_282 = arith.constant 6 : i32
      %scan3A_283 = arith.addi %scan3A_236, %scan3A_282 : i32
      %mul3A_284 = arith.constant 16 : i32
      %mul3A_285 = arith.muli %scan3A_283, %mul3A_284 : i32
      %swap3A_286 = arith.index_cast %mul3A_285 : i32 to index
      %swap3A_287 = tpu.vector_load %arg5[%swap3A_286] {strides = array<i32>} : memref<51200xf32, #tpu.memory_space<vmem>>, vector<16xf32>,
      %swap3A_288 = vector.shape_cast %swap3A_287 : vector<16xf32> to vector<16xf32>
      %swap3A_289 = vector.shape_cast %select_n3A_79 : vector<16xf32> to vector<16xf32>
      tpu.vector_store %arg5[%swap3A_286], %swap3A_289 {strides = array<i32>} : memref<51200xf32, #tpu.memory_space<vmem>>, vector<16xf32>,
      %scan3A_290 = arith.constant 7 : i32
      %scan3A_291 = arith.addi %scan3A_236, %scan3A_290 : i32
      %mul3A_292 = arith.constant 16 : i32
      %mul3A_293 = arith.muli %scan3A_291, %mul3A_292 : i32
      %swap3A_294 = arith.index_cast %mul3A_293 : i32 to index
      %swap3A_295 = tpu.vector_load %arg5[%swap3A_294] {strides = array<i32>} : memref<51200xf32, #tpu.memory_space<vmem>>, vector<16xf32>,
      %swap3A_296 = vector.shape_cast %swap3A_295 : vector<16xf32> to vector<16xf32>
      %swap3A_297 = vector.shape_cast %select_n3A_79 : vector<16xf32> to vector<16xf32>
      tpu.vector_store %arg5[%swap3A_294], %swap3A_297 {strides = array<i32>} : memref<51200xf32, #tpu.memory_space<vmem>>, vector<16xf32>,
    }
    %scan3A_115 = arith.constant 800 : i32
    %mul3A_116 = arith.constant 51200 : i32
    %mul3A_117 = arith.muli %add3A, %mul3A_116 : i32
    %add3A_118 = arith.constant 9600 : i32
    %add3A_119 = arith.addi %mul3A_117, %add3A_118 : i32
    %dma_start3A_120 = arith.constant 9600 : i32
    %dma_start3A_121 = tpu.memref_slice %arg5[%dma_start3A_120] : memref<51200xf32, #tpu.memory_space<vmem>> -> memref<12800xf32, #tpu.memory_space<vmem>>
    %dma_start3A_122 = tpu.memref_slice %arg3[%add3A_119] : memref<72089600xf32, #tpu.memory_space<hbm>> -> memref<12800xf32, #tpu.memory_space<hbm>>
    %dma_start3A_123 = tpu.memref_slice %arg3[%add3A_119] : memref<72089600xf32, #tpu.memory_space<hbm>> -> memref<12800xf32, #tpu.memory_space<hbm>>
    %dma_start3A_124 = arith.constant 9600 : i32
    %dma_start3A_125 = tpu.memref_slice %arg5[%dma_start3A_124] : memref<51200xf32, #tpu.memory_space<vmem>> -> memref<12800xf32, #tpu.memory_space<vmem>>
    tpu.enqueue_dma source(%dma_start3A_125 : memref<12800xf32, #tpu.memory_space<vmem>>) target(%dma_start3A_123 : memref<12800xf32, #tpu.memory_space<hbm>>) target_semaphore(%arg7 : memref<!tpu.dma_semaphore, #tpu.memory_space<semaphore_mem>>)
    %scan3A_126 = arith.constant 0 : i32
    %scan3A_127 = arith.constant 1400 : i32
    %scan3A_128 = arith.constant 1800 : i32
    %scan3A_129 = arith.addi %scan3A_127, %scan3A_128 : i32
    %scan3A_130 = arith.constant 8 : i32
    scf.for %scan3A_236 = %scan3A_127 to %scan3A_129 step %scan3A_130  : i32 {
      %mul3A_237 = arith.constant 16 : i32
      %mul3A_238 = arith.muli %scan3A_236, %mul3A_237 : i32
      %swap3A = arith.index_cast %mul3A_238 : i32 to index
      %swap3A_239 = tpu.vector_load %arg5[%swap3A] {strides = array<i32>} : memref<51200xf32, #tpu.memory_space<vmem>>, vector<16xf32>,
      %swap3A_240 = vector.shape_cast %swap3A_239 : vector<16xf32> to vector<16xf32>
      %swap3A_241 = vector.shape_cast %select_n3A_79 : vector<16xf32> to vector<16xf32>
      tpu.vector_store %arg5[%swap3A], %swap3A_241 {strides = array<i32>} : memref<51200xf32, #tpu.memory_space<vmem>>, vector<16xf32>,
      %scan3A_242 = arith.constant 1 : i32
      %scan3A_243 = arith.addi %scan3A_236, %scan3A_242 : i32
      %mul3A_244 = arith.constant 16 : i32
      %mul3A_245 = arith.muli %scan3A_243, %mul3A_244 : i32
      %swap3A_246 = arith.index_cast %mul3A_245 : i32 to index
      %swap3A_247 = tpu.vector_load %arg5[%swap3A_246] {strides = array<i32>} : memref<51200xf32, #tpu.memory_space<vmem>>, vector<16xf32>,
      %swap3A_248 = vector.shape_cast %swap3A_247 : vector<16xf32> to vector<16xf32>
      %swap3A_249 = vector.shape_cast %select_n3A_79 : vector<16xf32> to vector<16xf32>
      tpu.vector_store %arg5[%swap3A_246], %swap3A_249 {strides = array<i32>} : memref<51200xf32, #tpu.memory_space<vmem>>, vector<16xf32>,
      %scan3A_250 = arith.constant 2 : i32
      %scan3A_251 = arith.addi %scan3A_236, %scan3A_250 : i32
      %mul3A_252 = arith.constant 16 : i32
      %mul3A_253 = arith.muli %scan3A_251, %mul3A_252 : i32
      %swap3A_254 = arith.index_cast %mul3A_253 : i32 to index
      %swap3A_255 = tpu.vector_load %arg5[%swap3A_254] {strides = array<i32>} : memref<51200xf32, #tpu.memory_space<vmem>>, vector<16xf32>,
      %swap3A_256 = vector.shape_cast %swap3A_255 : vector<16xf32> to vector<16xf32>
      %swap3A_257 = vector.shape_cast %select_n3A_79 : vector<16xf32> to vector<16xf32>
      tpu.vector_store %arg5[%swap3A_254], %swap3A_257 {strides = array<i32>} : memref<51200xf32, #tpu.memory_space<vmem>>, vector<16xf32>,
      %scan3A_258 = arith.constant 3 : i32
      %scan3A_259 = arith.addi %scan3A_236, %scan3A_258 : i32
      %mul3A_260 = arith.constant 16 : i32
      %mul3A_261 = arith.muli %scan3A_259, %mul3A_260 : i32
      %swap3A_262 = arith.index_cast %mul3A_261 : i32 to index
      %swap3A_263 = tpu.vector_load %arg5[%swap3A_262] {strides = array<i32>} : memref<51200xf32, #tpu.memory_space<vmem>>, vector<16xf32>,
      %swap3A_264 = vector.shape_cast %swap3A_263 : vector<16xf32> to vector<16xf32>
      %swap3A_265 = vector.shape_cast %select_n3A_79 : vector<16xf32> to vector<16xf32>
      tpu.vector_store %arg5[%swap3A_262], %swap3A_265 {strides = array<i32>} : memref<51200xf32, #tpu.memory_space<vmem>>, vector<16xf32>,
      %scan3A_266 = arith.constant 4 : i32
      %scan3A_267 = arith.addi %scan3A_236, %scan3A_266 : i32
      %mul3A_268 = arith.constant 16 : i32
      %mul3A_269 = arith.muli %scan3A_267, %mul3A_268 : i32
      %swap3A_270 = arith.index_cast %mul3A_269 : i32 to index
      %swap3A_271 = tpu.vector_load %arg5[%swap3A_270] {strides = array<i32>} : memref<51200xf32, #tpu.memory_space<vmem>>, vector<16xf32>,
      %swap3A_272 = vector.shape_cast %swap3A_271 : vector<16xf32> to vector<16xf32>
      %swap3A_273 = vector.shape_cast %select_n3A_79 : vector<16xf32> to vector<16xf32>
      tpu.vector_store %arg5[%swap3A_270], %swap3A_273 {strides = array<i32>} : memref<51200xf32, #tpu.memory_space<vmem>>, vector<16xf32>,
      %scan3A_274 = arith.constant 5 : i32
      %scan3A_275 = arith.addi %scan3A_236, %scan3A_274 : i32
      %mul3A_276 = arith.constant 16 : i32
      %mul3A_277 = arith.muli %scan3A_275, %mul3A_276 : i32
      %swap3A_278 = arith.index_cast %mul3A_277 : i32 to index
      %swap3A_279 = tpu.vector_load %arg5[%swap3A_278] {strides = array<i32>} : memref<51200xf32, #tpu.memory_space<vmem>>, vector<16xf32>,
      %swap3A_280 = vector.shape_cast %swap3A_279 : vector<16xf32> to vector<16xf32>
      %swap3A_281 = vector.shape_cast %select_n3A_79 : vector<16xf32> to vector<16xf32>
      tpu.vector_store %arg5[%swap3A_278], %swap3A_281 {strides = array<i32>} : memref<51200xf32, #tpu.memory_space<vmem>>, vector<16xf32>,
      %scan3A_282 = arith.constant 6 : i32
      %scan3A_283 = arith.addi %scan3A_236, %scan3A_282 : i32
      %mul3A_284 = arith.constant 16 : i32
      %mul3A_285 = arith.muli %scan3A_283, %mul3A_284 : i32
      %swap3A_286 = arith.index_cast %mul3A_285 : i32 to index
      %swap3A_287 = tpu.vector_load %arg5[%swap3A_286] {strides = array<i32>} : memref<51200xf32, #tpu.memory_space<vmem>>, vector<16xf32>,
      %swap3A_288 = vector.shape_cast %swap3A_287 : vector<16xf32> to vector<16xf32>
      %swap3A_289 = vector.shape_cast %select_n3A_79 : vector<16xf32> to vector<16xf32>
      tpu.vector_store %arg5[%swap3A_286], %swap3A_289 {strides = array<i32>} : memref<51200xf32, #tpu.memory_space<vmem>>, vector<16xf32>,
      %scan3A_290 = arith.constant 7 : i32
      %scan3A_291 = arith.addi %scan3A_236, %scan3A_290 : i32
      %mul3A_292 = arith.constant 16 : i32
      %mul3A_293 = arith.muli %scan3A_291, %mul3A_292 : i32
      %swap3A_294 = arith.index_cast %mul3A_293 : i32 to index
      %swap3A_295 = tpu.vector_load %arg5[%swap3A_294] {strides = array<i32>} : memref<51200xf32, #tpu.memory_space<vmem>>, vector<16xf32>,
      %swap3A_296 = vector.shape_cast %swap3A_295 : vector<16xf32> to vector<16xf32>
      %swap3A_297 = vector.shape_cast %select_n3A_79 : vector<16xf32> to vector<16xf32>
      tpu.vector_store %arg5[%swap3A_294], %swap3A_297 {strides = array<i32>} : memref<51200xf32, #tpu.memory_space<vmem>>, vector<16xf32>,
    }
    %scan3A_131 = arith.constant 1800 : i32
    %mul3A_132 = arith.constant 51200 : i32
    %mul3A_133 = arith.muli %add3A, %mul3A_132 : i32
    %add3A_134 = arith.constant 22400 : i32
    %add3A_135 = arith.addi %mul3A_133, %add3A_134 : i32
    %dma_start3A_136 = arith.constant 22400 : i32
    %dma_start3A_137 = tpu.memref_slice %arg5[%dma_start3A_136] : memref<51200xf32, #tpu.memory_space<vmem>> -> memref<28800xf32, #tpu.memory_space<vmem>>
    %dma_start3A_138 = tpu.memref_slice %arg3[%add3A_135] : memref<72089600xf32, #tpu.memory_space<hbm>> -> memref<28800xf32, #tpu.memory_space<hbm>>
    %dma_start3A_139 = tpu.memref_slice %arg3[%add3A_135] : memref<72089600xf32, #tpu.memory_space<hbm>> -> memref<28800xf32, #tpu.memory_space<hbm>>
    %dma_start3A_140 = arith.constant 22400 : i32
    %dma_start3A_141 = tpu.memref_slice %arg5[%dma_start3A_140] : memref<51200xf32, #tpu.memory_space<vmem>> -> memref<28800xf32, #tpu.memory_space<vmem>>
    tpu.enqueue_dma source(%dma_start3A_141 : memref<28800xf32, #tpu.memory_space<vmem>>) target(%dma_start3A_139 : memref<28800xf32, #tpu.memory_space<hbm>>) target_semaphore(%arg7 : memref<!tpu.dma_semaphore, #tpu.memory_space<semaphore_mem>>)
    %add3A_142 = arith.constant 1 : i32
    %add3A_143 = arith.addi %add3A, %add3A_142 : i32
    %add3A_144 = arith.addi %add3A, %sub3A_55 : i32
    %while3A = arith.constant 0 : i32
    %while3A_145 = arith.subi %add3A_144, %add3A_143 : i32
    %while3A_146 = arith.addi %add3A_143, %while3A_145 : i32
    %while3A_147 = arith.constant 1 : i32
    %while3A_148 = arith.divsi %while3A_145, %while3A_147 : i32
    %while3A_149 = arith.muli %while3A_148, %while3A_147 : i32
    %while3A_150 = arith.addi %add3A_143, %while3A_149 : i32
    %while3A_151 = arith.constant 1 : i32
    scf.for %while3A_236 = %add3A_143 to %while3A_150 step %while3A_151  : i32 {
      %mul3A_237 = arith.constant 51200 : i32
      %mul3A_238 = arith.muli %while3A_236, %mul3A_237 : i32
      %dma_start3A_239 = tpu.memref_slice %arg3[%mul3A_238] : memref<72089600xf32, #tpu.memory_space<hbm>> -> memref<51200xf32, #tpu.memory_space<hbm>>
      %dma_start3A_240 = tpu.memref_slice %arg3[%mul3A_238] : memref<72089600xf32, #tpu.memory_space<hbm>> -> memref<51200xf32, #tpu.memory_space<hbm>>
      tpu.enqueue_dma source(%arg5 : memref<51200xf32, #tpu.memory_space<vmem>>) target(%dma_start3A_240 : memref<51200xf32, #tpu.memory_space<hbm>>) target_semaphore(%arg7 : memref<!tpu.dma_semaphore, #tpu.memory_space<semaphore_mem>>)
    }
    %while3A_152 = arith.constant 1 : i32
    scf.for %while3A_236 = %while3A_150 to %while3A_146 step %while3A_152  : i32 {
      %mul3A_237 = arith.constant 51200 : i32
      %mul3A_238 = arith.muli %while3A_236, %mul3A_237 : i32
      %dma_start3A_239 = tpu.memref_slice %arg3[%mul3A_238] : memref<72089600xf32, #tpu.memory_space<hbm>> -> memref<51200xf32, #tpu.memory_space<hbm>>
      %dma_start3A_240 = tpu.memref_slice %arg3[%mul3A_238] : memref<72089600xf32, #tpu.memory_space<hbm>> -> memref<51200xf32, #tpu.memory_space<hbm>>
      tpu.enqueue_dma source(%arg5 : memref<51200xf32, #tpu.memory_space<vmem>>) target(%dma_start3A_240 : memref<51200xf32, #tpu.memory_space<hbm>>) target_semaphore(%arg7 : memref<!tpu.dma_semaphore, #tpu.memory_space<semaphore_mem>>)
    }
    %broadcast_in_dim3A_153 = arith.constant 0 : i32
    %broadcast_in_dim3A_154 = vector.broadcast %broadcast_in_dim3A_153 : i32 to vector<16xi32>
    %add3A_155 = vector.broadcast %select_n3A_49 : i32 to vector<16xi32>
    %add3A_156 = arith.addi %broadcast_in_dim3A_154, %add3A_155 : vector<16xi32>
    %min3A_157 = arith.constant 15 : i32
    %min3A_158 = vector.broadcast %min3A_157 : i32 to vector<16xi32>
    %min3A_159 = arith.minsi %add3A_156, %min3A_158 : vector<16xi32>
    %broadcast_in_dim3A_160 = vector.shape_cast %min3A_159 : vector<16xi32> to vector<16x1xi32>
    %gather3A_161 = vector.shape_cast %broadcast_in_dim3A_160 : vector<16x1xi32> to vector<16xi32>
    %gather3A_162 = tpu.dynamic_gather %get3A_57[%gather3A_161] in [0] : vector<16xf32>, vector<16xi32> -> vector<16xf32>
    %sub3A_163 = arith.constant 16 : i32
    %sub3A_164 = vector.broadcast %sub3A_163 : i32 to vector<16xi32>
    %sub3A_165 = arith.subi %add3A_156, %sub3A_164 : vector<16xi32>
    %max3A_166 = arith.constant 0 : i32
    %max3A_167 = vector.broadcast %max3A_166 : i32 to vector<16xi32>
    %max3A_168 = arith.maxsi %sub3A_165, %max3A_167 : vector<16xi32>
    %broadcast_in_dim3A_169 = vector.shape_cast %max3A_168 : vector<16xi32> to vector<16x1xi32>
    %gather3A_170 = vector.shape_cast %broadcast_in_dim3A_169 : vector<16x1xi32> to vector<16xi32>
    %gather3A_171 = tpu.dynamic_gather %get3A_60[%gather3A_170] in [0] : vector<16xf32>, vector<16xi32> -> vector<16xf32>
    %lt3A_172 = arith.constant 16 : i32
    %lt3A_173 = vector.broadcast %lt3A_172 : i32 to vector<16xi32>
    %lt3A_174 = arith.cmpi slt, %add3A_156, %lt3A_173 : vector<16xi32>
    %select_n3A_175 = arith.select %lt3A_174, %gather3A_162, %gather3A_171 : vector<16xi1>, vector<16xf32>
    %scan3A_176 = arith.constant 0 : i32
    %scan3A_177 = arith.constant 0 : i32
    %scan3A_178 = arith.constant 3200 : i32
    %scan3A_179 = arith.addi %scan3A_177, %scan3A_178 : i32
    %scan3A_180 = arith.constant 8 : i32
    scf.for %scan3A_236 = %scan3A_177 to %scan3A_179 step %scan3A_180  : i32 {
      %mul3A_237 = arith.constant 16 : i32
      %mul3A_238 = arith.muli %scan3A_236, %mul3A_237 : i32
      %swap3A = arith.index_cast %mul3A_238 : i32 to index
      %swap3A_239 = tpu.vector_load %arg6[%swap3A] {strides = array<i32>} : memref<51200xf32, #tpu.memory_space<vmem>>, vector<16xf32>,
      %swap3A_240 = vector.shape_cast %swap3A_239 : vector<16xf32> to vector<16xf32>
      %swap3A_241 = vector.shape_cast %select_n3A_175 : vector<16xf32> to vector<16xf32>
      tpu.vector_store %arg6[%swap3A], %swap3A_241 {strides = array<i32>} : memref<51200xf32, #tpu.memory_space<vmem>>, vector<16xf32>,
      %scan3A_242 = arith.constant 1 : i32
      %scan3A_243 = arith.addi %scan3A_236, %scan3A_242 : i32
      %mul3A_244 = arith.constant 16 : i32
      %mul3A_245 = arith.muli %scan3A_243, %mul3A_244 : i32
      %swap3A_246 = arith.index_cast %mul3A_245 : i32 to index
      %swap3A_247 = tpu.vector_load %arg6[%swap3A_246] {strides = array<i32>} : memref<51200xf32, #tpu.memory_space<vmem>>, vector<16xf32>,
      %swap3A_248 = vector.shape_cast %swap3A_247 : vector<16xf32> to vector<16xf32>
      %swap3A_249 = vector.shape_cast %select_n3A_175 : vector<16xf32> to vector<16xf32>
      tpu.vector_store %arg6[%swap3A_246], %swap3A_249 {strides = array<i32>} : memref<51200xf32, #tpu.memory_space<vmem>>, vector<16xf32>,
      %scan3A_250 = arith.constant 2 : i32
      %scan3A_251 = arith.addi %scan3A_236, %scan3A_250 : i32
      %mul3A_252 = arith.constant 16 : i32
      %mul3A_253 = arith.muli %scan3A_251, %mul3A_252 : i32
      %swap3A_254 = arith.index_cast %mul3A_253 : i32 to index
      %swap3A_255 = tpu.vector_load %arg6[%swap3A_254] {strides = array<i32>} : memref<51200xf32, #tpu.memory_space<vmem>>, vector<16xf32>,
      %swap3A_256 = vector.shape_cast %swap3A_255 : vector<16xf32> to vector<16xf32>
      %swap3A_257 = vector.shape_cast %select_n3A_175 : vector<16xf32> to vector<16xf32>
      tpu.vector_store %arg6[%swap3A_254], %swap3A_257 {strides = array<i32>} : memref<51200xf32, #tpu.memory_space<vmem>>, vector<16xf32>,
      %scan3A_258 = arith.constant 3 : i32
      %scan3A_259 = arith.addi %scan3A_236, %scan3A_258 : i32
      %mul3A_260 = arith.constant 16 : i32
      %mul3A_261 = arith.muli %scan3A_259, %mul3A_260 : i32
      %swap3A_262 = arith.index_cast %mul3A_261 : i32 to index
      %swap3A_263 = tpu.vector_load %arg6[%swap3A_262] {strides = array<i32>} : memref<51200xf32, #tpu.memory_space<vmem>>, vector<16xf32>,
      %swap3A_264 = vector.shape_cast %swap3A_263 : vector<16xf32> to vector<16xf32>
      %swap3A_265 = vector.shape_cast %select_n3A_175 : vector<16xf32> to vector<16xf32>
      tpu.vector_store %arg6[%swap3A_262], %swap3A_265 {strides = array<i32>} : memref<51200xf32, #tpu.memory_space<vmem>>, vector<16xf32>,
      %scan3A_266 = arith.constant 4 : i32
      %scan3A_267 = arith.addi %scan3A_236, %scan3A_266 : i32
      %mul3A_268 = arith.constant 16 : i32
      %mul3A_269 = arith.muli %scan3A_267, %mul3A_268 : i32
      %swap3A_270 = arith.index_cast %mul3A_269 : i32 to index
      %swap3A_271 = tpu.vector_load %arg6[%swap3A_270] {strides = array<i32>} : memref<51200xf32, #tpu.memory_space<vmem>>, vector<16xf32>,
      %swap3A_272 = vector.shape_cast %swap3A_271 : vector<16xf32> to vector<16xf32>
      %swap3A_273 = vector.shape_cast %select_n3A_175 : vector<16xf32> to vector<16xf32>
      tpu.vector_store %arg6[%swap3A_270], %swap3A_273 {strides = array<i32>} : memref<51200xf32, #tpu.memory_space<vmem>>, vector<16xf32>,
      %scan3A_274 = arith.constant 5 : i32
      %scan3A_275 = arith.addi %scan3A_236, %scan3A_274 : i32
      %mul3A_276 = arith.constant 16 : i32
      %mul3A_277 = arith.muli %scan3A_275, %mul3A_276 : i32
      %swap3A_278 = arith.index_cast %mul3A_277 : i32 to index
      %swap3A_279 = tpu.vector_load %arg6[%swap3A_278] {strides = array<i32>} : memref<51200xf32, #tpu.memory_space<vmem>>, vector<16xf32>,
      %swap3A_280 = vector.shape_cast %swap3A_279 : vector<16xf32> to vector<16xf32>
      %swap3A_281 = vector.shape_cast %select_n3A_175 : vector<16xf32> to vector<16xf32>
      tpu.vector_store %arg6[%swap3A_278], %swap3A_281 {strides = array<i32>} : memref<51200xf32, #tpu.memory_space<vmem>>, vector<16xf32>,
      %scan3A_282 = arith.constant 6 : i32
      %scan3A_283 = arith.addi %scan3A_236, %scan3A_282 : i32
      %mul3A_284 = arith.constant 16 : i32
      %mul3A_285 = arith.muli %scan3A_283, %mul3A_284 : i32
      %swap3A_286 = arith.index_cast %mul3A_285 : i32 to index
      %swap3A_287 = tpu.vector_load %arg6[%swap3A_286] {strides = array<i32>} : memref<51200xf32, #tpu.memory_space<vmem>>, vector<16xf32>,
      %swap3A_288 = vector.shape_cast %swap3A_287 : vector<16xf32> to vector<16xf32>
      %swap3A_289 = vector.shape_cast %select_n3A_175 : vector<16xf32> to vector<16xf32>
      tpu.vector_store %arg6[%swap3A_286], %swap3A_289 {strides = array<i32>} : memref<51200xf32, #tpu.memory_space<vmem>>, vector<16xf32>,
      %scan3A_290 = arith.constant 7 : i32
      %scan3A_291 = arith.addi %scan3A_236, %scan3A_290 : i32
      %mul3A_292 = arith.constant 16 : i32
      %mul3A_293 = arith.muli %scan3A_291, %mul3A_292 : i32
      %swap3A_294 = arith.index_cast %mul3A_293 : i32 to index
      %swap3A_295 = tpu.vector_load %arg6[%swap3A_294] {strides = array<i32>} : memref<51200xf32, #tpu.memory_space<vmem>>, vector<16xf32>,
      %swap3A_296 = vector.shape_cast %swap3A_295 : vector<16xf32> to vector<16xf32>
      %swap3A_297 = vector.shape_cast %select_n3A_175 : vector<16xf32> to vector<16xf32>
      tpu.vector_store %arg6[%swap3A_294], %swap3A_297 {strides = array<i32>} : memref<51200xf32, #tpu.memory_space<vmem>>, vector<16xf32>,
    }
    %scan3A_181 = arith.constant 3200 : i32
    %add3A_182 = arith.addi %add3A, %sub3A_55 : i32
    %add3A_183 = arith.addi %add3A, %select_n3A : i32
    %while3A_184 = arith.constant 0 : i32
    %while3A_185 = arith.subi %add3A_183, %add3A_182 : i32
    %while3A_186 = arith.addi %add3A_182, %while3A_185 : i32
    %while3A_187 = arith.constant 1 : i32
    %while3A_188 = arith.divsi %while3A_185, %while3A_187 : i32
    %while3A_189 = arith.muli %while3A_188, %while3A_187 : i32
    %while3A_190 = arith.addi %add3A_182, %while3A_189 : i32
    %while3A_191 = arith.constant 1 : i32
    scf.for %while3A_236 = %add3A_182 to %while3A_190 step %while3A_191  : i32 {
      %mul3A_237 = arith.constant 51200 : i32
      %mul3A_238 = arith.muli %while3A_236, %mul3A_237 : i32
      %dma_start3A_239 = tpu.memref_slice %arg3[%mul3A_238] : memref<72089600xf32, #tpu.memory_space<hbm>> -> memref<51200xf32, #tpu.memory_space<hbm>>
      %dma_start3A_240 = tpu.memref_slice %arg3[%mul3A_238] : memref<72089600xf32, #tpu.memory_space<hbm>> -> memref<51200xf32, #tpu.memory_space<hbm>>
      tpu.enqueue_dma source(%arg6 : memref<51200xf32, #tpu.memory_space<vmem>>) target(%dma_start3A_240 : memref<51200xf32, #tpu.memory_space<hbm>>) target_semaphore(%arg7 : memref<!tpu.dma_semaphore, #tpu.memory_space<semaphore_mem>>)
    }
    %while3A_192 = arith.constant 1 : i32
    scf.for %while3A_236 = %while3A_190 to %while3A_186 step %while3A_192  : i32 {
      %mul3A_237 = arith.constant 51200 : i32
      %mul3A_238 = arith.muli %while3A_236, %mul3A_237 : i32
      %dma_start3A_239 = tpu.memref_slice %arg3[%mul3A_238] : memref<72089600xf32, #tpu.memory_space<hbm>> -> memref<51200xf32, #tpu.memory_space<hbm>>
      %dma_start3A_240 = tpu.memref_slice %arg3[%mul3A_238] : memref<72089600xf32, #tpu.memory_space<hbm>> -> memref<51200xf32, #tpu.memory_space<hbm>>
      tpu.enqueue_dma source(%arg6 : memref<51200xf32, #tpu.memory_space<vmem>>) target(%dma_start3A_240 : memref<51200xf32, #tpu.memory_space<hbm>>) target_semaphore(%arg7 : memref<!tpu.dma_semaphore, #tpu.memory_space<semaphore_mem>>)
    }
    %dma_wait3A = arith.constant 0 : i32
    %dma_wait3A_193 = tpu.memref_slice %arg5[%dma_wait3A] : memref<51200xf32, #tpu.memory_space<vmem>> -> memref<3200xf32, #tpu.memory_space<vmem>>
    %dma_wait3A_194 = arith.constant 0 : i32
    %dma_wait3A_195 = tpu.memref_slice %arg3[%dma_wait3A_194] : memref<72089600xf32, #tpu.memory_space<hbm>> -> memref<3200xf32, #tpu.memory_space<hbm>>
    %dma_wait3A_196 = arith.constant 0 : i32
    %dma_wait3A_197 = tpu.memref_slice %arg3[%dma_wait3A_196] : memref<72089600xf32, #tpu.memory_space<hbm>> -> memref<3200xf32, #tpu.memory_space<hbm>>
    %dma_wait3A_198 = arith.constant 0 : i32
    %dma_wait3A_199 = tpu.memref_slice %arg5[%dma_wait3A_198] : memref<51200xf32, #tpu.memory_space<vmem>> -> memref<3200xf32, #tpu.memory_space<vmem>>
    tpu.wait_dma2 semaphore(%arg7 : memref<!tpu.dma_semaphore, #tpu.memory_space<semaphore_mem>>) src(%dma_wait3A_199 : memref<3200xf32, #tpu.memory_space<vmem>>) dst(%dma_wait3A_197 : memref<3200xf32, #tpu.memory_space<hbm>>)
    %dma_wait3A_200 = arith.constant 0 : i32
    %dma_wait3A_201 = tpu.memref_slice %arg5[%dma_wait3A_200] : memref<51200xf32, #tpu.memory_space<vmem>> -> memref<6400xf32, #tpu.memory_space<vmem>>
    %dma_wait3A_202 = arith.constant 0 : i32
    %dma_wait3A_203 = tpu.memref_slice %arg3[%dma_wait3A_202] : memref<72089600xf32, #tpu.memory_space<hbm>> -> memref<6400xf32, #tpu.memory_space<hbm>>
    %dma_wait3A_204 = arith.constant 0 : i32
    %dma_wait3A_205 = tpu.memref_slice %arg3[%dma_wait3A_204] : memref<72089600xf32, #tpu.memory_space<hbm>> -> memref<6400xf32, #tpu.memory_space<hbm>>
    %dma_wait3A_206 = arith.constant 0 : i32
    %dma_wait3A_207 = tpu.memref_slice %arg5[%dma_wait3A_206] : memref<51200xf32, #tpu.memory_space<vmem>> -> memref<6400xf32, #tpu.memory_space<vmem>>
    tpu.wait_dma2 semaphore(%arg7 : memref<!tpu.dma_semaphore, #tpu.memory_space<semaphore_mem>>) src(%dma_wait3A_207 : memref<6400xf32, #tpu.memory_space<vmem>>) dst(%dma_wait3A_205 : memref<6400xf32, #tpu.memory_space<hbm>>)
    %dma_wait3A_208 = arith.constant 0 : i32
    %dma_wait3A_209 = tpu.memref_slice %arg5[%dma_wait3A_208] : memref<51200xf32, #tpu.memory_space<vmem>> -> memref<12800xf32, #tpu.memory_space<vmem>>
    %dma_wait3A_210 = arith.constant 0 : i32
    %dma_wait3A_211 = tpu.memref_slice %arg3[%dma_wait3A_210] : memref<72089600xf32, #tpu.memory_space<hbm>> -> memref<12800xf32, #tpu.memory_space<hbm>>
    %dma_wait3A_212 = arith.constant 0 : i32
    %dma_wait3A_213 = tpu.memref_slice %arg3[%dma_wait3A_212] : memref<72089600xf32, #tpu.memory_space<hbm>> -> memref<12800xf32, #tpu.memory_space<hbm>>
    %dma_wait3A_214 = arith.constant 0 : i32
    %dma_wait3A_215 = tpu.memref_slice %arg5[%dma_wait3A_214] : memref<51200xf32, #tpu.memory_space<vmem>> -> memref<12800xf32, #tpu.memory_space<vmem>>
    tpu.wait_dma2 semaphore(%arg7 : memref<!tpu.dma_semaphore, #tpu.memory_space<semaphore_mem>>) src(%dma_wait3A_215 : memref<12800xf32, #tpu.memory_space<vmem>>) dst(%dma_wait3A_213 : memref<12800xf32, #tpu.memory_space<hbm>>)
    %dma_wait3A_216 = arith.constant 0 : i32
    %dma_wait3A_217 = tpu.memref_slice %arg5[%dma_wait3A_216] : memref<51200xf32, #tpu.memory_space<vmem>> -> memref<28800xf32, #tpu.memory_space<vmem>>
    %dma_wait3A_218 = arith.constant 0 : i32
    %dma_wait3A_219 = tpu.memref_slice %arg3[%dma_wait3A_218] : memref<72089600xf32, #tpu.memory_space<hbm>> -> memref<28800xf32, #tpu.memory_space<hbm>>
    %dma_wait3A_220 = arith.constant 0 : i32
    %dma_wait3A_221 = tpu.memref_slice %arg3[%dma_wait3A_220] : memref<72089600xf32, #tpu.memory_space<hbm>> -> memref<28800xf32, #tpu.memory_space<hbm>>
    %dma_wait3A_222 = arith.constant 0 : i32
    %dma_wait3A_223 = tpu.memref_slice %arg5[%dma_wait3A_222] : memref<51200xf32, #tpu.memory_space<vmem>> -> memref<28800xf32, #tpu.memory_space<vmem>>
    tpu.wait_dma2 semaphore(%arg7 : memref<!tpu.dma_semaphore, #tpu.memory_space<semaphore_mem>>) src(%dma_wait3A_223 : memref<28800xf32, #tpu.memory_space<vmem>>) dst(%dma_wait3A_221 : memref<28800xf32, #tpu.memory_space<hbm>>)
    %sub3A_224 = arith.constant 1 : i32
    %sub3A_225 = arith.subi %select_n3A, %sub3A_224 : i32
    %while3A_226 = arith.constant 0 : i32
    %while3A_227 = arith.constant 0 : i32
    %while3A_228 = arith.subi %sub3A_225, %while3A_227 : i32
    %while3A_229 = arith.addi %while3A_227, %while3A_228 : i32
    %while3A_230 = arith.constant 1 : i32
    %while3A_231 = arith.divsi %while3A_228, %while3A_230 : i32
    %while3A_232 = arith.muli %while3A_231, %while3A_230 : i32
    %while3A_233 = arith.addi %while3A_227, %while3A_232 : i32
    %while3A_234 = arith.constant 1 : i32
    scf.for %while3A_236 = %while3A_227 to %while3A_233 step %while3A_234  : i32 {
      %dma_wait3A_237 = arith.constant 0 : i32
      %dma_wait3A_238 = tpu.memref_slice %arg3[%dma_wait3A_237] : memref<72089600xf32, #tpu.memory_space<hbm>> -> memref<51200xf32, #tpu.memory_space<hbm>>
      %dma_wait3A_239 = arith.constant 0 : i32
      %dma_wait3A_240 = tpu.memref_slice %arg3[%dma_wait3A_239] : memref<72089600xf32, #tpu.memory_space<hbm>> -> memref<51200xf32, #tpu.memory_space<hbm>>
      tpu.wait_dma2 semaphore(%arg7 : memref<!tpu.dma_semaphore, #tpu.memory_space<semaphore_mem>>) src(%arg5 : memref<51200xf32, #tpu.memory_space<vmem>>) dst(%dma_wait3A_240 : memref<51200xf32, #tpu.memory_space<hbm>>)
    }
    %while3A_235 = arith.constant 1 : i32
    scf.for %while3A_236 = %while3A_233 to %while3A_229 step %while3A_235  : i32 {
      %dma_wait3A_237 = arith.constant 0 : i32
      %dma_wait3A_238 = tpu.memref_slice %arg3[%dma_wait3A_237] : memref<72089600xf32, #tpu.memory_space<hbm>> -> memref<51200xf32, #tpu.memory_space<hbm>>
      %dma_wait3A_239 = arith.constant 0 : i32
      %dma_wait3A_240 = tpu.memref_slice %arg3[%dma_wait3A_239] : memref<72089600xf32, #tpu.memory_space<hbm>> -> memref<51200xf32, #tpu.memory_space<hbm>>
      tpu.wait_dma2 semaphore(%arg7 : memref<!tpu.dma_semaphore, #tpu.memory_space<semaphore_mem>>) src(%arg5 : memref<51200xf32, #tpu.memory_space<vmem>>) dst(%dma_wait3A_240 : memref<51200xf32, #tpu.memory_space<hbm>>)
    }
    return
  }
}

</mosaic_0001>

<sc_bundles>
// kernel: kernel.3.cloned.1.call-start
scs
__scs_entry_jumppad:
0x0: {  	(pc) =	sbr.rel $0x88, $3  }
0x1: {  	(tag) =	ssettag $0x0;
	lr =	simm.s32 $0x1  }
0x2: {  	[smem:$0x3FA0] =	sst lr;
	_ =	strace $0xD0000000  }
0x3: {  	_ = 	snop  }
0x4: {  	_ = 	snop  }
0x5: {  	_ = 	snop  }
0x6: {  	_ = 	snop  }
0x7: {  	_ = 	snop  }
__scs_overlays_trampoline_lowered:
0x8: {  	[smem:$0x3FAF] =	sst s0  }
0x9: {  	[smem:$0x3FB0] =	sst s1  }
0xa: {  	[smem:$0x3FB1] =	sst s2  }
0xb: {  	[smem:$0x3FB2] =	sst s3  }
0xc: {  	[smem:$0x3FB3] =	sst s4  }
0xd: {  	[smem:$0x3FB4] =	sst s5  }
0xe: {  	[smem:$0x3FB5] =	sst s6  }
0xf: {  	[smem:$0x3FB6] =	sst s7  }
0x10: {  	[smem:$0x3FB7] =	sst s8  }
0x11: {  	[smem:$0x3FB8] =	sst s9;
	s0 =	simm.s32 @!p0 $0x0  }
0x12: {  	s1 =	sld [smem:$0x3F9E];
	s0 =	simm.s32 @p0 $0x1  }
0x13: {  	[smem:$0x3FB9] =	sst s0;
	s0 =	simm.s32 @!p1 $0x0  }
0x14: {  	s2 =	sld [smem:$0x3F9D];
	s0 =	simm.s32 @p1 $0x1  }
0x15: {  	[smem:$0x3FBA] =	sst s0;
	s0 =	simm.s32 @!p2 $0x0  }
0x16: {  	s3 =	sld [smem:$0x3FDB];
	s0 =	simm.s32 @p2 $0x1  }
0x17: {  	s4 =	simm.s32 $0x1BF5;
	[smem:$0x3FBC] =	sst s0  }
0x18: {  	s0 =	sld [smem:$0x3F9F];
	_ =	swait.ge [sflag:s4], $0x0  }
0x19: {  	s7 =	sld [smem:$0x3FA0]  }
0x1a: {  	s8 =	sadd.s32 $0xFFFFE003, lr  }
0x1b: {  	s9 =	sadd.s32 $0xFFFFFEF7, lr;
	s5 =	simm.s32 $0xFFFFFFFF;
	p2 =	slt.u32 s8, $0xFFFFF086  }
0x1c: {  	p1 =	slt.u32 s9, $0xF7A;
	s5 =	simm.s32 @!p2 $0x0  }
0x1d: {  	s5 =	simm.s32 @p1 $0x1;
	p0 =	seq.s32 s7, s2  }
0x1e: {  	s7 =	smul.u32 @!p0 $0xF7A, s2;
	p2 =	seq.s32 @!p0 s5, $0x0  }
0x1f: {  	s9 =	smul.u32 $0xF7A, s1;
	s8 =	simm.s32 @!p0 $0x1BF5;
	p2 =	por !p2, p0  }
0x20: {  	[sflag:s8] =	ssyncset.s32 @!p0 $0xFFFFF086;
	s6 =	sadd.s32 @!p0 s3, s7;
	s7 =	simm.s32 @!p0 $0x108  }
0x21: {  	s3 =	sadd.s32 s3, s9;
	s6 =	sadd.s32 @!p0 $0x88, s6;
	s7 =	simm.s32 @p2 $0x1082  }
0x22: {  	[simem:s7], [sflag:s8] =	dma.local @!p0 [hbm:s6], $0xF7A  }
0x23: {  	s9 =	sor.u32 $0xD0000000, s2;
	s6 =	simm.s32 $0x108;
	_ =	swait.ge @!p0 [sflag:s8], $0x0  }
0x24: {  	s3 =	sadd.s32 $0x88, s3;
	s6 =	simm.s32 @!p1 $0x1082;
	[sflag:s4] =	ssyncset.s32 $0xFFFFF086  }
0x25: {  	[simem:s6], [sflag:s4] =	dma.local [hbm:s3], $0xF7A  }
0x26: {  	[smem:$0x3FA0] =	sst s1;
	(tag) =	ssettag s2;
	_ =	strace s9  }
0x27: {  	s1 =	sld [smem:$0x3FB0]  }
0x28: {  	s2 =	sld [smem:$0x3FB1]  }
0x29: {  	s4 =	sld [smem:$0x3FB3]  }
0x2a: {  	p0 =	seq.s32 s5, $0x0;
	s5 =	sld [smem:$0x3FB4]  }
0x2b: {  	s6 =	sld [smem:$0x3FB5]  }
0x2c: {  	s7 =	sld [smem:$0x3FB6]  }
0x2d: {  	s3 =	simm.s32 $0x108;
	s8 =	sld [smem:$0x3FB7]  }
0x2e: {  	s3 =	simm.s32 @!p0 $0x1082;
	s9 =	sld [smem:$0x3FB8]  }
0x2f: {  	lr =	sadd.s32 s0, s3;
	s0 =	sld [smem:$0x3FAF]  }
0x30: {  	s3 =	sld [smem:$0x3FB2]  }
0x31: {  	[smem:$0x3FBB] =	sst s10  }
0x32: {  	s10 =	sld [smem:$0x3FB9];
	_ =	sdelay $0x3  }
0x33: {  	p0 =	seq.s32 s10, $0x1;
	s10 =	sld [smem:$0x3FBB];
	_ =	sdelay $0x3  }
0x34: {  	[smem:$0x3FBB] =	sst s10  }
0x35: {  	s10 =	sld [smem:$0x3FBA];
	_ =	sdelay $0x3  }
0x36: {  	p1 =	seq.s32 s10, $0x1;
	s10 =	sld [smem:$0x3FBB];
	_ =	sdelay $0x3  }
0x37: {  	[smem:$0x3FBB] =	sst s10  }
0x38: {  	s10 =	sld [smem:$0x3FBC]  }
0x39: {  	_ = 	snop;
	(pc) =	sbr.ind lr, $3  }
0x3a: {  	_ = 	snop  }
0x3b: {  	_ = 	snop  }
0x3c: {  	p2 =	seq.s32 s10, $0x1;
	s10 =	sld [smem:$0x3FBB]  }
0x3d: {  	_ =	shalt  }
0x3e: {  	_ =	shalt  }
0x3f: {  	_ =	shalt  }
0x40: {  	_ =	shalt  }
0x41: {  	_ =	shalt  }
0x42: {  	_ =	shalt  }
0x43: {  	_ =	shalt  }
0x44: {  	_ =	shalt  }
0x45: {  	_ =	shalt  }
0x46: {  	_ =	shalt  }
0x47: {  	_ =	shalt  }
0x48: {  	_ =	shalt  }
0x49: {  	_ =	shalt  }
0x4a: {  	_ =	shalt  }
0x4b: {  	_ =	shalt  }
0x4c: {  	_ =	shalt  }
0x4d: {  	_ =	shalt  }
0x4e: {  	_ =	shalt  }
0x4f: {  	_ =	shalt  }
0x50: {  	_ =	shalt  }
0x51: {  	_ =	shalt  }
0x52: {  	_ =	shalt  }
0x53: {  	_ =	shalt  }
0x54: {  	_ =	shalt  }
0x55: {  	_ =	shalt  }
0x56: {  	_ =	shalt  }
0x57: {  	_ =	shalt  }
0x58: {  	_ =	shalt  }
0x59: {  	_ =	shalt  }
0x5a: {  	_ =	shalt  }
0x5b: {  	_ =	shalt  }
0x5c: {  	_ =	shalt  }
0x5d: {  	_ =	shalt  }
0x5e: {  	_ =	shalt  }
0x5f: {  	_ =	shalt  }
0x60: {  	_ =	shalt  }
0x61: {  	_ =	shalt  }
0x62: {  	_ =	shalt  }
0x63: {  	_ =	shalt  }
0x64: {  	_ =	shalt  }
0x65: {  	_ =	shalt  }
0x66: {  	_ =	shalt  }
0x67: {  	_ =	shalt  }
0x68: {  	_ =	shalt  }
0x69: {  	_ =	shalt  }
0x6a: {  	_ =	shalt  }
0x6b: {  	_ =	shalt  }
0x6c: {  	_ =	shalt  }
0x6d: {  	_ =	shalt  }
0x6e: {  	_ =	shalt  }
0x6f: {  	_ =	shalt  }
0x70: {  	_ =	shalt  }
0x71: {  	_ =	shalt  }
0x72: {  	_ =	shalt  }
0x73: {  	_ =	shalt  }
0x74: {  	_ =	shalt  }
0x75: {  	_ =	shalt  }
0x76: {  	_ =	shalt  }
0x77: {  	_ =	shalt  }
0x78: {  	_ =	shalt  }
0x79: {  	_ =	shalt  }
0x7a: {  	_ =	shalt  }
0x7b: {  	_ =	shalt  }
0x7c: {  	_ =	shalt  }
0x7d: {  	_ =	shalt  }
0x7e: {  	_ =	shalt  }
0x7f: {  	_ =	shalt  }
0x80: {  	_ =	shalt  }
0x81: {  	_ =	shalt  }
0x82: {  	_ =	shalt  }
0x83: {  	_ =	shalt  }
0x84: {  	_ =	shalt  }
0x85: {  	_ =	shalt  }
0x86: {  	_ =	shalt  }
0x87: {  	_ =	shalt  }
.Lfunc_end0:
.L_simem_size_0:
called_computation_lowered:
.L_overlay_start_0:
0x88: {  	s2 =	sld [smem:$0x3FD9]  }
0x89: {  	s3 =	sld [smem:$0x3FFE];
	_ =	sdelay $0x1  }
0x8a: {  	s1 =	srdreg.scid  }
0x8b: {  	s0 =	sand.u32 $0x1, s1  }
0x8c: {  	s18 =	sshll.u32 s0, $0xA;
	s2 =	sadd.s32 s3, s2  }
0x8d: {  	s2 =	sadd.s32 s2, s18  }
0x8e: {  	[smem:$0x3FC7] =	sst s2  }
0x8f: {  	_ = 	snop  }
0x90: {  	s2 =	sld [smem:$0x3FC9]  }
0x91: {  	s19 =	sld [smem:$0x3FD0];
	(tm) =	ssettm $0x1  }
0x92: {  	s4 =	sld [smem:$0x3FFB];
	_ =	sdelay $0x3  }
0x93: {  	_ =	strace s4  }
0x94: {  	s4 =	sld [smem:$0x3FFC];
	_ =	sdelay $0x3  }
0x95: {  	_ =	strace s4  }
0x96: {  	s4 =	sld [smem:$0x3FFD];
	_ =	sdelay $0x3  }
0x97: {  	_ =	strace s4  }
0x98: {  	_ =	strace $0x8FFFFFFF  }
0x99: {  	s20 =	sld [smem:$0x3FDB];
	_ =	sdelay $0x1  }
0x9a: {  	s5 =	simm.s32 $_scs_section_size  }
0x9b: {  	s6 =	simm.s32 $_size__tile_overlayer_lowered;
	s7 =	simm.s32 $_tile_overlayer_lowered  }
0x9c: {  	s23 =	simm.s32 $0x1BFF;
	s22 =	sshll.u32 s7, $0x1;
	s4 =	sadd.s32 s5, s20  }
0x9d: {  	s8 =	simm.s32 $0x0;
	s21 =	sshll.u32 s6, $0x1;
	s6 =	sadd.s32 s22, s4  }
0x9e: {  	[timem:s8], [sflag:s23] =	dma.local [hbm:s6], s21  }
0x9f: {  	_ =	swait.ge [sflag:s23], s21  }
0xa0: {  	s5 =	ssub.s32 $0x0, s21;
	[sflag:s23] =	ssyncset.done $0x0  }
0xa1: {  	[sflag:s23] =	ssyncadd.s32 s5;
	_ =	sdelay $0x1  }
0xa2: {  	s24 =	simm.s32 $0x1B8B  }
0xa3: {  	_ =	swait.ge [sflag:s24], $0x1  }
0xa4: {  	[sflag:s24] =	ssyncset.done $0x0  }
0xa5: {  	s25 =	simm.s32 $0x1B8E;
	[sflag:s24] =	ssyncadd.s32 $0xFFFFFFFF  }
0xa6: {  	s26 =	simm.s32 $execute0_lowered;
	[smem:$0x3FD2] =	sst s25  }
0xa7: {  	s5 =	sshll.u32 s26, $0x1;
	_ =	strace $0x80000046;
	[dreg:$0x1] =	wrdreg $0xFFFFFFFF  }
0xa8: {  	s28 =	simm.s32 $_size_execute0_lowered;
	s4 =	sadd.s32 s4, s5;
	[dreg:$0x0] =	wrdreg $0x0  }
0xa9: {  	s5 =	sshll.u32 s28, $0x1;
	[dreg:$0x2] =	wrdreg s4  }
0xaa: {  	[dreg:$0x3] =	wrdreg s5  }
0xab: {  	[dreg:$0x4] =	wrdreg $0xC0  }
0xac: {  	_ =	task [dreg:s8], $0x5FFFF  }
0xad: {  	[dreg:$0x1] =	wrdreg $0xFFFFFFFF  }
0xae: {  	[dreg:$0x0] =	wrdreg $0x60  }
0xaf: {  	[dreg:$0x2] =	wrdreg s2  }
0xb0: {  	[dreg:$0x3] =	wrdreg s19  }
0xb1: {  	[dreg:$0x4] =	wrdreg $0x9  }
0xb2: {  	_ =	task.clear_ibuf [dreg:s8], $0x5FFFF;
	_ =	strace $0x90000046  }
0xb3: {  	s29 =	simm.s32 $0x9;
	_ =	strace $0x80000048  }
0xb4: {  	_ =	swait.ge [sflag:s29], $0x1  }
0xb5: {  	[sflag:s29] =	ssyncadd.s32 $0xFFFFFFFF  }
0xb6: {  	_ =	strace $0x90000048  }
0xb7: {  	_ =	sfence  }
0xb8: {  	s30 =	sld [smem:$0x0];
	_ =	sdelay $0x2  }
0xb9: {  	s31 =	sshll.u32 s1, $0xD;
	s1 =	sshrl.u32 s1, $0x2  }
0xba: {  	s3 =	sand.u32 $0x4000, s31;
	s1 =	sadd.s32 s1, s30  }
0xbb: {  	s0 =	sor.u32 s3, s0;
	s1 =	sshll.u32 s1, $0x11  }
0xbc: {  	s0 =	sor.u32 s1, s0  }
0xbd: {  	s0 =	sadd.s32 $0x8F2B, s0  }
0xbe: {  	[sflag:s0] =	ssyncadd.remote.s32 $0x1  }
0xbf: {  	_ =	sfence.sel $0xFFFF  }
0xc0: {  	[dreg:$0x0] =	wrdreg $0xFFFFFFFF;
	(pc) =	sbr.abs _section_cstart, $3  }
0xc1: {  	[dreg:$0x1] =	wrdreg $0xFFFFFFFF  }
0xc2: {  	_ =	task.clear_ibuf [dreg:s8], $0x2FFFF;
	_ =	strace $0x9FFFFFFF  }
0xc3: {  	(tm) =	ssettm $0x7FFFFFFF  }
tec
execute0_lowered:
.L_overlay_start_1:
0x0: {  	(tag) =	ssettag $0x1  }
0x1: {  	s2 =	rddreg [dreg:$0x0];
	s1 =	srdreg.scid  }
0x2: {  	s0 =	stileid.u32;
	s13 =	rddreg [dreg:$0x1];
	s3 =	simm.s32 $0x0  }
0x3: {  	s18 =	simm.s32 $0x5800;
	s20 =	simm.s32 $0x1;
	s4 =	smul.u32 $0x58, s0  }
0x4: {  	s9 =	sand.u32 $0x1, s1;
	s1 =	rddreg [dreg:$0x2];
	s14 =	smul.u32 $0x89800, s0  }
0x5: {  	s21 =	simm.s32 $0x0;
	[smem:$0x7FF] =	sst s3;
	s5 =	smul.u32 $0x2C, s9  }
0x6: {  	s6 =	ssub.s32 $0x2, s9;
	_ =	strace $0x80000047;
	s16 =	smul.u32 $0x44C00, s9  }
0x7: {  	s7 =	sshrl.u32 s6, $0x1;
	s14 =	sadd.s32 s14, s13;
	s10 =	sadd.s32 s5, s4  }
0x8: {  	s11 =	ssub.s32 s6, s7;
	s14 =	sadd.s32 s16, s14;
	s16 =	simm.s32 $0xD00  }
0x9: {  	s4 =	sadd.s32 $0x28, s10;
	s5 =	smul.u32 $0xC800, s10;
	s12 =	sshrl.u32 s10, $0x6  }
0xa: {  	s30 =	sand.u32 $0xFC0, s10;
	s11 =	smax.u32 s11, $0x1;
	s15 =	sshrl.u32 s4, $0x6  }
0xb: {  	s19 =	sadd.s32 $0x40, s30;
	s4 =	sadd.s32 $0x2C, s10;
	s10 =	sor.u32 $0x1, s10  }
0xc: {  	v4 =	vmov s12;
	s12 =	sadd.s32 $0x1900, s14;
	s14 =	simm.s32 $0x2;
	s31 =	sshrl.u32 s5, $0x3  }
0xd: {  	s5 =	smin.u32 s19, s4;
	v5 =	vmov s15;
	s15 =	simm.s32 $0x80;
	p1 =	slt.u32 s19, s4  }
0xe: {  	v0 =	vmin.u32 v4, $0xF;
	v1 =	vmax.u32 v4, $0x10;
	s19 =	simm.s32 $0xC880;
	s6 =	sadd.s32 s13, s31;
	s17 =	smul.u32 $0x1900, s5  }
0xf: {  	vm0 =	vlt.u32 v4, $0x10;
	v1 =	vand.u32 $0xF, v1;
	v3 =	vmax.u32 v5, $0x10;
	p0 =	sge.u32 s10, s5;
	s7 =	sadd.s32 $0x190, s6;
	s8 =	sadd.s32 $0x4B0, s6  }
0x10: {  	v2 =	vmin.u32 v5, $0xF;
	vm1 =	vlt.u32 v5, $0x10;
	s9 =	sadd.s32 $0xAF0, s6;
	v3 =	vand.u32 $0xF, v3;
	s13 =	sadd.s32 s17, s13;
	s17 =	simm.s32 $0x2600  }
.LBB2_1:
0x11: {  	[tilespmem:s3], [sflag:$0x2] =	stream.linear.gather [hbm4b:s2+s3], $0x16, $0x38;
	[tilespmem:$0x19080] =	vst v63  }
0x12: {  	_ =	swait.ge [sflag:s14], $0x16  }
0x13: {  	[sflag:s14] =	ssyncset.done $0x0  }
0x14: {  	[sflag:s14] =	ssyncadd.s32 $0xFFFFFFEA  }
0x15: {  	v4 =	vld [tilespmem:$0x0]  }
0x16: {  	v5 =	vld [tilespmem:$0x10];
	_ =	sdelay $0x4  }
0x17: {  	v6 =	vperm.xlane v4, v0;
	v7 =	vperm.xlane v5, v1;
	_ =	sdelay $0x1  }
0x18: {  	s22 =	simm.s32 $0xC0;
	v6 =	vsel vm0, v6, v7  }
0x19: {  	[tilespmem:s22+$0xFFFFFFC0] =	vst v6  }
0x1a: {  	[tilespmem:s22+$0x30] =	vst v6  }
0x1b: {  	[tilespmem:s22+$0x20] =	vst v6  }
0x1c: {  	[tilespmem:s22+$0x10] =	vst v6  }
0x1d: {  	[tilespmem:s22+$0x0] =	vst v6  }
0x1e: {  	[tilespmem:s22+$0xFFFFFFF0] =	vst v6  }
0x1f: {  	s23 =	simm.s32 $0x0;
	[tilespmem:s22+$0xFFFFFFE0] =	vst v6  }
.LBB2_2:
0x20: {  	s23 =	sadd.s32 $0x8, s23;
	[tilespmem:s22+$0xFFFFFFD0] =	vst v6;
	s22 =	sadd.s32 $0x80, s22  }
0x21: {  	[tilespmem:s22+$0xFFFFFFC0] =	vst v6;
	p2 =	slt.u32 s23, $0xC0  }
0x22: {  	[tilespmem:s22+$0x30] =	vst v6  }
.Ltmp0:
0x23: {  	[tilespmem:s22+$0x20] =	vst v6;
	(pc) =	sbr.rel @p2 .LBB2_2-.Ltmp0, $4  }
0x24: {  	[tilespmem:s22+$0x10] =	vst v6  }
0x25: {  	[tilespmem:s22+$0x0] =	vst v6  }
0x26: {  	[tilespmem:s22+$0xFFFFFFF0] =	vst v6  }
0x27: {  	[tilespmem:s22+$0xFFFFFFE0] =	vst v6  }
0x28: {  	[tilespmem:s22+$0xFFFFFFD0] =	vst v6;
	s22 =	simm.s32 $0xD70  }
0x29: {  	[hbm4b:s6+s3] =	stream.linear.scatter [tilespmem:s15], [sflag:$0x1], $0xC80, $0x38;
	[tilespmem:$0x19080] =	vst v63  }
0x2a: {  	[tilespmem:s22+$0xFFFFFF90] =	vst v6  }
0x2b: {  	[tilespmem:s22+$0x0] =	vst v6  }
0x2c: {  	[tilespmem:s22+$0xFFFFFFF0] =	vst v6  }
0x2d: {  	[tilespmem:s22+$0xFFFFFFE0] =	vst v6  }
0x2e: {  	[tilespmem:s22+$0xFFFFFFD0] =	vst v6  }
0x2f: {  	[tilespmem:s22+$0xFFFFFFC0] =	vst v6  }
0x30: {  	s23 =	simm.s32 $0xC8;
	[tilespmem:s22+$0xFFFFFFB0] =	vst v6  }
.LBB2_4:
0x31: {  	s23 =	sadd.s32 $0x8, s23;
	[tilespmem:s22+$0xFFFFFFA0] =	vst v6;
	s22 =	sadd.s32 $0x80, s22  }
0x32: {  	[tilespmem:s22+$0xFFFFFF90] =	vst v6;
	p2 =	slt.u32 s23, $0x250  }
0x33: {  	[tilespmem:s22+$0x0] =	vst v6  }
.Ltmp1:
0x34: {  	[tilespmem:s22+$0xFFFFFFF0] =	vst v6;
	(pc) =	sbr.rel @p2 .LBB2_4-.Ltmp1, $4  }
0x35: {  	[tilespmem:s22+$0xFFFFFFE0] =	vst v6  }
0x36: {  	[tilespmem:s22+$0xFFFFFFD0] =	vst v6  }
0x37: {  	[tilespmem:s22+$0xFFFFFFC0] =	vst v6  }
0x38: {  	[tilespmem:s22+$0xFFFFFFB0] =	vst v6  }
0x39: {  	[tilespmem:s22+$0xFFFFFFA0] =	vst v6;
	s22 =	simm.s32 $0x2670  }
0x3a: {  	[hbm4b:s7+s3] =	stream.linear.scatter [tilespmem:s16], [sflag:$0x1], $0x1900, $0x38;
	[tilespmem:$0x19080] =	vst v63  }
0x3b: {  	[tilespmem:s22+$0xFFFFFF90] =	vst v6  }
0x3c: {  	[tilespmem:s22+$0x0] =	vst v6  }
0x3d: {  	[tilespmem:s22+$0xFFFFFFF0] =	vst v6  }
0x3e: {  	[tilespmem:s22+$0xFFFFFFE0] =	vst v6  }
0x3f: {  	[tilespmem:s22+$0xFFFFFFD0] =	vst v6  }
0x40: {  	[tilespmem:s22+$0xFFFFFFC0] =	vst v6  }
0x41: {  	s23 =	simm.s32 $0x258;
	[tilespmem:s22+$0xFFFFFFB0] =	vst v6  }
.LBB2_6:
0x42: {  	s23 =	sadd.s32 $0x8, s23;
	[tilespmem:s22+$0xFFFFFFA0] =	vst v6;
	s22 =	sadd.s32 $0x80, s22  }
0x43: {  	[tilespmem:s22+$0xFFFFFF90] =	vst v6;
	p2 =	slt.u32 s23, $0x570  }
0x44: {  	[tilespmem:s22+$0x0] =	vst v6  }
.Ltmp2:
0x45: {  	[tilespmem:s22+$0xFFFFFFF0] =	vst v6;
	(pc) =	sbr.rel @p2 .LBB2_6-.Ltmp2, $4  }
0x46: {  	[tilespmem:s22+$0xFFFFFFE0] =	vst v6  }
0x47: {  	[tilespmem:s22+$0xFFFFFFD0] =	vst v6  }
0x48: {  	[tilespmem:s22+$0xFFFFFFC0] =	vst v6  }
0x49: {  	[tilespmem:s22+$0xFFFFFFB0] =	vst v6  }
0x4a: {  	[tilespmem:s22+$0xFFFFFFA0] =	vst v6;
	s22 =	simm.s32 $0x5870  }
0x4b: {  	[hbm4b:s8+s3] =	stream.linear.scatter [tilespmem:s17], [sflag:$0x1], $0x3200, $0x38;
	[tilespmem:$0x19080] =	vst v63  }
0x4c: {  	[tilespmem:s22+$0xFFFFFF90] =	vst v6  }
0x4d: {  	[tilespmem:s22+$0x0] =	vst v6  }
0x4e: {  	[tilespmem:s22+$0xFFFFFFF0] =	vst v6  }
0x4f: {  	[tilespmem:s22+$0xFFFFFFE0] =	vst v6  }
0x50: {  	[tilespmem:s22+$0xFFFFFFD0] =	vst v6  }
0x51: {  	[tilespmem:s22+$0xFFFFFFC0] =	vst v6  }
0x52: {  	s23 =	simm.s32 $0x578;
	[tilespmem:s22+$0xFFFFFFB0] =	vst v6  }
.LBB2_8:
0x53: {  	s23 =	sadd.s32 $0x8, s23;
	[tilespmem:s22+$0xFFFFFFA0] =	vst v6;
	s22 =	sadd.s32 $0x80, s22  }
0x54: {  	[tilespmem:s22+$0xFFFFFF90] =	vst v6;
	p2 =	slt.u32 s23, $0xC78  }
0x55: {  	[tilespmem:s22+$0x0] =	vst v6  }
.Ltmp3:
0x56: {  	[tilespmem:s22+$0xFFFFFFF0] =	vst v6;
	(pc) =	sbr.rel @p2 .LBB2_8-.Ltmp3, $4  }
0x57: {  	[tilespmem:s22+$0xFFFFFFE0] =	vst v6  }
0x58: {  	[tilespmem:s22+$0xFFFFFFD0] =	vst v6  }
0x59: {  	[tilespmem:s22+$0xFFFFFFC0] =	vst v6  }
0x5a: {  	[tilespmem:s22+$0xFFFFFFB0] =	vst v6  }
.Ltmp4:
0x5b: {  	(pc) =	sbr.rel @p0 .LBB2_12-.Ltmp4, $3  }
0x5c: {  	_ =	sdelay $0x1  }
0x5d: {  	[tilespmem:s22+$0xFFFFFFA0] =	vst v6  }
0x5e: {  	[hbm4b:s9+s3] =	stream.linear.scatter [tilespmem:s18], [sflag:$0x1], $0x7080, $0x38;
	[tilespmem:$0x19080] =	vst v63  }
0x5f: {  	s22 =	sadd.s32 $0x1, s10  }
0x60: {  	p2 =	slt.u32 s22, s5  }
.Ltmp5:
0x61: {  	_ = 	snop;
	(pc) =	sbr.rel @!p2 .LBB2_12-.Ltmp5, $3  }
0x62: {  	_ =	sdelay $0x1  }
0x63: {  	[hbm4b:s12+s3] =	stream.linear.scatter [tilespmem:s15], [sflag:$0x1], $0xC800, $0x38;
	[tilespmem:$0x19080] =	vst v63  }
0x64: {  	s23 =	smov.u32 s12  }
.LBB2_11:
0x65: {  	s22 =	sadd.s32 $0x1, s22  }
0x66: {  	p2 =	slt.u32 s22, s5  }
.Ltmp6:
0x67: {  	_ = 	snop;
	(pc) =	sbr.rel @p2 .LBB2_11-.Ltmp6, $3  }
0x68: {  	_ = 	snop  }
0x69: {  	s23 =	sadd.s32 $0x1900, s23;
	_ =	sdelay $0x1  }
0x6a: {  	[hbm4b:s23+s3] =	stream.linear.scatter [tilespmem:s15], [sflag:$0x1], $0xC800, $0x38;
	[tilespmem:$0x19080] =	vst v63  }
.LBB2_12:
0x6b: {  	v4 =	vperm.xlane v4, v2;
	v5 =	vperm.xlane v5, v3;
	_ =	sdelay $0x1  }
0x6c: {  	s22 =	simm.s32 $0xC8C0;
	v4 =	vsel vm1, v4, v5  }
0x6d: {  	[tilespmem:s22+$0xFFFFFFC0] =	vst v4  }
0x6e: {  	[tilespmem:s22+$0x30] =	vst v4  }
0x6f: {  	[tilespmem:s22+$0x20] =	vst v4  }
0x70: {  	[tilespmem:s22+$0x10] =	vst v4  }
0x71: {  	[tilespmem:s22+$0x0] =	vst v4  }
0x72: {  	[tilespmem:s22+$0xFFFFFFF0] =	vst v4  }
0x73: {  	s23 =	simm.s32 $0x0;
	[tilespmem:s22+$0xFFFFFFE0] =	vst v4  }
.LBB2_13:
0x74: {  	s23 =	sadd.s32 $0x8, s23;
	[tilespmem:s22+$0xFFFFFFD0] =	vst v4;
	s22 =	sadd.s32 $0x80, s22  }
0x75: {  	[tilespmem:s22+$0xFFFFFFC0] =	vst v4;
	p2 =	slt.u32 s23, $0xC78  }
0x76: {  	[tilespmem:s22+$0x30] =	vst v4  }
.Ltmp7:
0x77: {  	[tilespmem:s22+$0x20] =	vst v4;
	(pc) =	sbr.rel @p2 .LBB2_13-.Ltmp7, $4  }
0x78: {  	[tilespmem:s22+$0x10] =	vst v4  }
0x79: {  	[tilespmem:s22+$0x0] =	vst v4  }
0x7a: {  	[tilespmem:s22+$0xFFFFFFF0] =	vst v4  }
0x7b: {  	[tilespmem:s22+$0xFFFFFFE0] =	vst v4  }
.Ltmp8:
0x7c: {  	(pc) =	sbr.rel @!p1 .LBB2_17-.Ltmp8, $2  }
0x7d: {  	_ =	sdelay $0x2  }
0x7e: {  	[tilespmem:s22+$0xFFFFFFD0] =	vst v4  }
0x7f: {  	s22 =	sadd.s32 $0x1, s5  }
0x80: {  	p2 =	slt.u32 s22, s4  }
.Ltmp9:
0x81: {  	_ = 	snop;
	(pc) =	sbr.rel @!p2 .LBB2_17-.Ltmp9, $3  }
0x82: {  	_ =	sdelay $0x1  }
0x83: {  	[hbm4b:s13+s3] =	stream.linear.scatter [tilespmem:s19], [sflag:$0x1], $0xC800, $0x38;
	[tilespmem:$0x19080] =	vst v63  }
0x84: {  	s23 =	smov.u32 s13  }
.LBB2_16:
0x85: {  	s22 =	sadd.s32 $0x1, s22  }
0x86: {  	p2 =	slt.u32 s22, s4  }
.Ltmp10:
0x87: {  	_ = 	snop;
	(pc) =	sbr.rel @p2 .LBB2_16-.Ltmp10, $3  }
0x88: {  	_ = 	snop  }
0x89: {  	s23 =	sadd.s32 $0x1900, s23;
	_ =	sdelay $0x1  }
0x8a: {  	[hbm4b:s23+s3] =	stream.linear.scatter [tilespmem:s19], [sflag:$0x1], $0xC800, $0x38;
	[tilespmem:$0x19080] =	vst v63  }
.LBB2_17:
0x8b: {  	_ =	swait.ge [sflag:s20], $0xC80  }
0x8c: {  	[sflag:s20] =	ssyncset.done $0x0  }
0x8d: {  	[sflag:s20] =	ssyncadd.s32 $0xFFFFF380  }
0x8e: {  	_ =	swait.ge [sflag:s20], $0x1900  }
0x8f: {  	[sflag:s20] =	ssyncset.done $0x0  }
0x90: {  	[sflag:s20] =	ssyncadd.s32 $0xFFFFE700  }
0x91: {  	_ =	swait.ge [sflag:s20], $0x3200  }
0x92: {  	[sflag:s20] =	ssyncset.done $0x0  }
0x93: {  	[sflag:s20] =	ssyncadd.s32 $0xFFFFCE00  }
0x94: {  	_ =	swait.ge [sflag:s20], $0x7080  }
0x95: {  	[sflag:s20] =	ssyncset.done $0x0  }
0x96: {  	[sflag:s20] =	ssyncadd.s32 $0xFFFF8F80  }
0x97: {  	_ =	swait.ge [sflag:s20], $0xC800  }
0x98: {  	s22 =	simm.s32 $0x2A;
	[sflag:s20] =	ssyncset.done $0x0  }
.LBB2_18:
0x99: {  	p2 =	sne.s32 s22, $0x1;
	s22 =	sadd.s32 $0xFFFFFFFF, s22;
	[sflag:s20] =	ssyncadd.s32 $0xFFFF3800  }
.Ltmp11:
0x9a: {  	(pc) =	sbr.rel @p2 .LBB2_18-.Ltmp11, $3  }
0x9b: {  	_ =	sdelay $0x1  }
0x9c: {  	_ =	swait.ge [sflag:s20], $0xC800  }
0x9d: {  	[sflag:s20] =	ssyncset.done $0x0  }
0x9e: {  	s21 =	sadd.s32 $0x1, s21  }
0x9f: {  	p2 =	sne.s32 s21, s11  }
.Ltmp12:
0xa0: {  	_ = 	snop;
	(pc) =	sbr.rel @p2 .LBB2_1-.Ltmp12, $2  }
0xa1: {  	_ =	sdelay $0x2  }
0xa2: {  	[sflag:s20] =	ssyncadd.s32 $0xFFFF3800  }
0xa3: {  	_ =	sfence.sel $0x180000  }
0xa4: {  	[bflag:$0x0] =	sbarrier.arrive $0xFFFF  }
0xa5: {  	p0 =	sne.s32 s0, $0x0;
	_ =	strace $0x90000047  }
0xa6: {  	s0 =	sadd.s32 @!p0 $0x100000, s1;
	[bflag:$0x2] =	sbarrier.arrive $0xFFFF  }
0xa7: {  	[sflag:s0] =	ssyncadd.tile.s32 @!p0 $0x1;
	_ =	shalt  }
.Lfunc_end2:
_tile_overlayer_lowered:
.L_overlay_start_2:
0xa8: {  	(tag) =	ssettag $0x2  }
0xa9: {  	s0 =	rddreg [dreg:$0x0];
	s2 =	stileid.u32  }
0xaa: {  	s1 =	rddreg [dreg:$0x1];
	p0 =	sne.s32 s2, $0x0  }
0xab: {  	s3 =	rddreg [dreg:$0x2];
	[bflag:$0x3] =	sbarrier.arrive $0xFFFF;
	s2 =	simm.s32 @!p0 $0x1C02  }
0xac: {  	[timem:s3], [sflag:s2] =	dma.local @!p0 [hbm:s0], s1  }
0xad: {  	s0 =	simm.s32 @!p0 $0x2  }
0xae: {  	_ =	swait.ge @!p0 [sflag:s0], s1  }
0xaf: {  	s1 =	ssub.s32 @!p0 $0x0, s1;
	[sflag:s0] =	ssyncset.done @!p0 $0x0  }
0xb0: {  	[sflag:s0] =	ssyncadd.s32 @!p0 s1  }
0xb1: {  	[bflag:$0x3] =	sbarrier.arrive $0xFFFF  }
0xb2: {  	_ =	shalt  }

</sc_bundles>
